<compile_context>
chip_gen: v7x
topology: tpu7x:2x2x1
jax: 0.10.2.dev20260603
libtpu: 0.0.44.dev20260713+nightly
codegen_flags: <defaults>
</compile_context>

<pallas_src>
import functools

import jax
import jax.numpy as jnp
from jax import lax
from jax.experimental import pallas as pl
from jax.experimental.pallas import tpu as pltpu
from jax.experimental.pallas import tpu_sc as plsc

_NC = 1000
_NW = 32
_NBUF = 2


def kernel(x):
    n0, n1 = x.shape
    rows_per_w = n0 // _NW
    mesh = plsc.VectorSubcoreMesh(core_axis_name="c", subcore_axis_name="s")

    @functools.partial(
        pl.kernel,
        out_type=jax.ShapeDtypeStruct((n0, n1, _NC), jnp.float32),
        mesh=mesh,
        scratch_types=[
            pltpu.VMEM((rows_per_w, n1), jnp.int32),
            pltpu.VMEM((_NBUF, n1, _NC), jnp.float32),
            pltpu.SemaphoreType.DMA((_NBUF,)),
        ],
        compiler_params=pltpu.CompilerParams(
            use_tc_tiling_on_sc=True, needs_layout_passes=False),
    )
    def _sc(x_hbm, o_hbm, xv, buf, sem):
        wid = lax.axis_index("s") * 2 + lax.axis_index("c")
        r0 = wid * rows_per_w
        pltpu.sync_copy(x_hbm.at[pl.ds(r0, rows_per_w), :], xv)

        it16 = lax.iota(jnp.int32, 16)
        s0 = it16
        s1 = it16 + (n1 - 16)
        ones = jnp.full((16,), 1.0, jnp.float32)
        zeros = jnp.zeros((16,), jnp.float32)
        tail_mask = it16 < jnp.full((16,), _NC - 62 * 16, jnp.int32)

        def zrow_body(k, carry):
            s = k // 63
            t = k % 63
            plsc.store_scatter(
                buf.at[carry], [jnp.full((16,), s, jnp.int32), t * 16 + it16],
                zeros, mask=tail_mask | (t < jnp.full((16,), 62, jnp.int32)))
            return carry

        for b in range(_NBUF):
            lax.fori_loop(0, n1 * 63, zrow_body, b)

        def put(j, b):
            c0 = xv[j, 0:16]
            c1 = xv[j, pl.ds(n1 - 16, 16)]
            plsc.store_scatter(buf.at[b], [s0, c0], ones)
            plsc.store_scatter(buf.at[b], [s1, c1], ones)
            pltpu.make_async_copy(buf.at[b], o_hbm.at[r0 + j], sem.at[b]).start()

        def reclaim(j, b):
            pltpu.make_async_copy(buf.at[b], o_hbm.at[r0 + j], sem.at[b]).wait()
            c0 = xv[j, 0:16]
            c1 = xv[j, pl.ds(n1 - 16, 16)]
            plsc.store_scatter(buf.at[b], [s0, c0], zeros)
            plsc.store_scatter(buf.at[b], [s1, c1], zeros)

        for b in range(_NBUF):
            put(b, b)

        def body(g, carry):
            for b in range(_NBUF):
                j = g * _NBUF + b
                reclaim(j - _NBUF, b)
                put(j, b)
            return carry

        lax.fori_loop(1, rows_per_w // _NBUF, body, 0)

        for b in range(_NBUF):
            j = rows_per_w - _NBUF + b
            pltpu.make_async_copy(buf.at[b], o_hbm.at[r0 + j], sem.at[b]).wait()

    return _sc(x)

# --- scband reference (transcript-rebuilt; emitter-appended) ---
"""Pipeline reference for scband-one-hot-encoder-53017076301894 (READ-ONLY COPY).

The authoritative reference and input builder live on the scoring server;
editing this copy changes nothing except your own understanding.
"""

import jax, jax.numpy as jnp
import numpy as np

NUM_CLASSES = 1000

def setup_inputs(seed: int = 0) -> dict:
    key = jax.random.key(seed)
    x = jax.random.randint(key, (4096, 26), 0, NUM_CLASSES, dtype=jnp.int64 if jax.config.read('jax_enable_x64') else jnp.int32)
    return {"x": x}

def reference(x) -> jnp.ndarray:
    # F.one_hot(x, num_classes).float()
    return jax.nn.one_hot(x, NUM_CLASSES, dtype=jnp.float32)

if __name__ == "__main__":
    import jax
    _d = setup_inputs()
    print(jax.jit(kernel)(*tuple(_d.values())))

</pallas_src>

<mosaic_0001>
#map = affine_map<(d0, d1) -> (0, 0)>
#map1 = affine_map<(d0, d1) -> (0, 0, 0)>
module attributes {stable_mosaic.version = 14 : i64} {
  func.func @_sc(%arg0: i32, %arg1: i32, %arg2: memref<4096x26xi32, #tpu.memory_space<hbm>>, %arg3: memref<4096x26x1000xf32, #tpu.memory_space<hbm>>, %arg4: memref<128x26xi32, #tpu.memory_space<vmem>>, %arg5: memref<2x26x1000xf32, #tpu.memory_space<vmem>>, %arg6: memref<2x!tpu.dma_semaphore, #tpu.memory_space<semaphore_mem>>) attributes {dimension_semantics = [#tpu.dimension_semantics<core_parallel>, #tpu.dimension_semantics<subcore_parallel>], iteration_bounds = array<i64: 2, 16>, scalar_prefetch = 0 : i64, scratch_operands = 3 : i64, tpu.core_type = #tpu.core_type<sc_vector_subcore>, window_params = [{transform_indices = #map}, {transform_indices = #map1}]} {
    %mul3A = arith.constant 2 : i32
    %mul3A_0 = arith.muli %arg1, %mul3A : i32
    %add3A = arith.addi %mul3A_0, %arg0 : i32
    %mul3A_1 = arith.constant 128 : i32
    %mul3A_2 = arith.muli %add3A, %mul3A_1 : i32
    "tpu.region"() ({
      %run_scoped3A = tpu.sem_alloc : memref<!tpu.dma_semaphore, #tpu.memory_space<semaphore_mem>>
      %dma_start3A_148 = arith.constant 0 : i32
      %dma_start3A_149 = tpu.memref_slice %arg2[%mul3A_2, %dma_start3A_148] : memref<4096x26xi32, #tpu.memory_space<hbm>> -> memref<128x26xi32, #tpu.memory_space<hbm>>
      %dma_start3A_150 = arith.constant 0 : i32
      %dma_start3A_151 = tpu.memref_slice %arg2[%mul3A_2, %dma_start3A_150] : memref<4096x26xi32, #tpu.memory_space<hbm>> -> memref<128x26xi32, #tpu.memory_space<hbm>>
      tpu.enqueue_dma source(%dma_start3A_151 : memref<128x26xi32, #tpu.memory_space<hbm>>) target(%arg4 : memref<128x26xi32, #tpu.memory_space<vmem>>) target_semaphore(%run_scoped3A : memref<!tpu.dma_semaphore, #tpu.memory_space<semaphore_mem>>)
      %dma_wait3A_152 = arith.constant 0 : i32
      %dma_wait3A_153 = tpu.memref_slice %arg2[%mul3A_2, %dma_wait3A_152] : memref<4096x26xi32, #tpu.memory_space<hbm>> -> memref<128x26xi32, #tpu.memory_space<hbm>>
      %dma_wait3A_154 = arith.constant 0 : i32
      %dma_wait3A_155 = tpu.memref_slice %arg2[%mul3A_2, %dma_wait3A_154] : memref<4096x26xi32, #tpu.memory_space<hbm>> -> memref<128x26xi32, #tpu.memory_space<hbm>>
      tpu.wait_dma2 semaphore(%run_scoped3A : memref<!tpu.dma_semaphore, #tpu.memory_space<semaphore_mem>>) src(%dma_wait3A_155 : memref<128x26xi32, #tpu.memory_space<hbm>>) dst(%arg4 : memref<128x26xi32, #tpu.memory_space<vmem>>)
      tpu.yield
    }) : () -> ()
    %iota3A = tpu.iota {dimensions = array<i32: 0>} : vector<16xi32>
    %add3A_3 = arith.constant 10 : i32
    %add3A_4 = vector.broadcast %add3A_3 : i32 to vector<16xi32>
    %add3A_5 = arith.addi %iota3A, %add3A_4 : vector<16xi32>
    %broadcast_in_dim3A = arith.constant 1.000000e+00 : f32
    %broadcast_in_dim3A_6 = vector.broadcast %broadcast_in_dim3A : f32 to vector<16xf32>
    %broadcast_in_dim3A_7 = arith.constant 0.000000e+00 : f32
    %broadcast_in_dim3A_8 = vector.broadcast %broadcast_in_dim3A_7 : f32 to vector<16xf32>
    %broadcast_in_dim3A_9 = arith.constant 8 : i32
    %broadcast_in_dim3A_10 = vector.broadcast %broadcast_in_dim3A_9 : i32 to vector<16xi32>
    %lt3A = arith.cmpi slt, %iota3A, %broadcast_in_dim3A_10 : vector<16xi32>
    %scan3A = arith.constant 0 : i32
    %scan3A_11 = arith.constant 0 : i32
    %scan3A_12 = arith.constant 1638 : i32
    %scan3A_13 = arith.addi %scan3A_11, %scan3A_12 : i32
    %scan3A_14 = arith.constant 1 : i32
    scf.for %scan3A_148 = %scan3A_11 to %scan3A_13 step %scan3A_14  : i32 {
      %jit3A = arith.constant 63 : i32
      %div3A = arith.divsi %scan3A_148, %jit3A : i32
      %sign3A = arith.constant 0 : i32
      %sign3A_149 = arith.cmpi sgt, %scan3A_148, %sign3A : i32
      %sign3A_150 = arith.extui %sign3A_149 : i1 to i32
      %sign3A_151 = arith.constant 0 : i32
      %sign3A_152 = arith.cmpi slt, %scan3A_148, %sign3A_151 : i32
      %sign3A_153 = arith.extui %sign3A_152 : i1 to i32
      %sign3A_154 = arith.subi %sign3A_150, %sign3A_153 : i32
      %sign3A_155 = arith.constant 0 : i32
      %sign3A_156 = arith.cmpi sgt, %jit3A, %sign3A_155 : i32
      %sign3A_157 = arith.extui %sign3A_156 : i1 to i32
      %sign3A_158 = arith.constant 0 : i32
      %sign3A_159 = arith.cmpi slt, %jit3A, %sign3A_158 : i32
      %sign3A_160 = arith.extui %sign3A_159 : i1 to i32
      %sign3A_161 = arith.subi %sign3A_157, %sign3A_160 : i32
      %ne3A = arith.cmpi ne, %sign3A_154, %sign3A_161 : i32
      %rem3A = arith.remsi %scan3A_148, %jit3A : i32
      %ne3A_162 = arith.constant 0 : i32
      %ne3A_163 = arith.cmpi ne, %rem3A, %ne3A_162 : i32
      %and3A = arith.andi %ne3A, %ne3A_163 : i1
      %sub3A = arith.constant 1 : i32
      %sub3A_164 = arith.subi %div3A, %sub3A : i32
      %select_n3A = arith.select %and3A, %sub3A_164, %div3A : i32
      %jit3A_165 = arith.constant 63 : i32
      %eq3A = arith.constant 0 : i32
      %eq3A_166 = arith.cmpi eq, %jit3A_165, %eq3A : i32
      %jit3A_167 = arith.constant 1 : i32
      %select_n3A_168 = arith.select %eq3A_166, %jit3A_167, %jit3A_165 : i32
      %rem3A_169 = arith.remsi %scan3A_148, %select_n3A_168 : i32
      %ne3A_170 = arith.constant 0 : i32
      %ne3A_171 = arith.cmpi ne, %rem3A_169, %ne3A_170 : i32
      %lt3A_172 = arith.constant 0 : i32
      %lt3A_173 = arith.cmpi slt, %rem3A_169, %lt3A_172 : i32
      %lt3A_174 = arith.constant 0 : i32
      %lt3A_175 = arith.cmpi slt, %select_n3A_168, %lt3A_174 : i32
      %ne3A_176 = arith.xori %lt3A_173, %lt3A_175 : i1
      %and3A_177 = arith.andi %ne3A_176, %ne3A_171 : i1
      %add3A_178 = arith.addi %rem3A_169, %select_n3A_168 : i32
      %select_n3A_179 = arith.select %and3A_177, %add3A_178, %rem3A_169 : i32
      %broadcast_in_dim3A_180 = vector.broadcast %select_n3A : i32 to vector<16xi32>
      %mul3A_181 = arith.constant 16 : i32
      %mul3A_182 = arith.muli %select_n3A_179, %mul3A_181 : i32
      %add3A_183 = vector.broadcast %mul3A_182 : i32 to vector<16xi32>
      %add3A_184 = arith.addi %add3A_183, %iota3A : vector<16xi32>
      %broadcast_in_dim3A_185 = arith.constant 62 : i32
      %broadcast_in_dim3A_186 = vector.broadcast %broadcast_in_dim3A_185 : i32 to vector<16xi32>
      %lt3A_187 = vector.broadcast %select_n3A_179 : i32 to vector<16xi32>
      %lt3A_188 = arith.cmpi slt, %lt3A_187, %broadcast_in_dim3A_186 : vector<16xi32>
      %or3A = arith.ori %lt3A, %lt3A_188 : vector<16xi1>
      %scatter3A_189 = arith.constant 0 : i32
      %scatter3A_190 = arith.constant 0 : i32
      %scatter3A_191 = tpu.memref_slice %arg5[%scan3A, %scatter3A_189, %scatter3A_190] : memref<2x26x1000xf32, #tpu.memory_space<vmem>> -> memref<1x26x1000xf32, #tpu.memory_space<vmem>>
      %scatter3A_192 = tpu.memref_squeeze %scatter3A_191 : memref<1x26x1000xf32, #tpu.memory_space<vmem>> -> memref<26x1000xf32, #tpu.memory_space<vmem>>
      tpu.vector_store_idx %scatter3A_192[%broadcast_in_dim3A_180, %add3A_184], %broadcast_in_dim3A_8 masked %or3A : memref<26x1000xf32, #tpu.memory_space<vmem>>[vector<16xi32>, vector<16xi32>], vector<16xf32>, vector<16xi1>
    }
    %scan3A_15 = arith.constant 1638 : i32
    %scan3A_16 = arith.constant 1 : i32
    %scan3A_17 = arith.constant 0 : i32
    %scan3A_18 = arith.constant 1638 : i32
    %scan3A_19 = arith.addi %scan3A_17, %scan3A_18 : i32
    %scan3A_20 = arith.constant 1 : i32
    scf.for %scan3A_148 = %scan3A_17 to %scan3A_19 step %scan3A_20  : i32 {
      %jit3A = arith.constant 63 : i32
      %div3A = arith.divsi %scan3A_148, %jit3A : i32
      %sign3A = arith.constant 0 : i32
      %sign3A_149 = arith.cmpi sgt, %scan3A_148, %sign3A : i32
      %sign3A_150 = arith.extui %sign3A_149 : i1 to i32
      %sign3A_151 = arith.constant 0 : i32
      %sign3A_152 = arith.cmpi slt, %scan3A_148, %sign3A_151 : i32
      %sign3A_153 = arith.extui %sign3A_152 : i1 to i32
      %sign3A_154 = arith.subi %sign3A_150, %sign3A_153 : i32
      %sign3A_155 = arith.constant 0 : i32
      %sign3A_156 = arith.cmpi sgt, %jit3A, %sign3A_155 : i32
      %sign3A_157 = arith.extui %sign3A_156 : i1 to i32
      %sign3A_158 = arith.constant 0 : i32
      %sign3A_159 = arith.cmpi slt, %jit3A, %sign3A_158 : i32
      %sign3A_160 = arith.extui %sign3A_159 : i1 to i32
      %sign3A_161 = arith.subi %sign3A_157, %sign3A_160 : i32
      %ne3A = arith.cmpi ne, %sign3A_154, %sign3A_161 : i32
      %rem3A = arith.remsi %scan3A_148, %jit3A : i32
      %ne3A_162 = arith.constant 0 : i32
      %ne3A_163 = arith.cmpi ne, %rem3A, %ne3A_162 : i32
      %and3A = arith.andi %ne3A, %ne3A_163 : i1
      %sub3A = arith.constant 1 : i32
      %sub3A_164 = arith.subi %div3A, %sub3A : i32
      %select_n3A = arith.select %and3A, %sub3A_164, %div3A : i32
      %jit3A_165 = arith.constant 63 : i32
      %eq3A = arith.constant 0 : i32
      %eq3A_166 = arith.cmpi eq, %jit3A_165, %eq3A : i32
      %jit3A_167 = arith.constant 1 : i32
      %select_n3A_168 = arith.select %eq3A_166, %jit3A_167, %jit3A_165 : i32
      %rem3A_169 = arith.remsi %scan3A_148, %select_n3A_168 : i32
      %ne3A_170 = arith.constant 0 : i32
      %ne3A_171 = arith.cmpi ne, %rem3A_169, %ne3A_170 : i32
      %lt3A_172 = arith.constant 0 : i32
      %lt3A_173 = arith.cmpi slt, %rem3A_169, %lt3A_172 : i32
      %lt3A_174 = arith.constant 0 : i32
      %lt3A_175 = arith.cmpi slt, %select_n3A_168, %lt3A_174 : i32
      %ne3A_176 = arith.xori %lt3A_173, %lt3A_175 : i1
      %and3A_177 = arith.andi %ne3A_176, %ne3A_171 : i1
      %add3A_178 = arith.addi %rem3A_169, %select_n3A_168 : i32
      %select_n3A_179 = arith.select %and3A_177, %add3A_178, %rem3A_169 : i32
      %broadcast_in_dim3A_180 = vector.broadcast %select_n3A : i32 to vector<16xi32>
      %mul3A_181 = arith.constant 16 : i32
      %mul3A_182 = arith.muli %select_n3A_179, %mul3A_181 : i32
      %add3A_183 = vector.broadcast %mul3A_182 : i32 to vector<16xi32>
      %add3A_184 = arith.addi %add3A_183, %iota3A : vector<16xi32>
      %broadcast_in_dim3A_185 = arith.constant 62 : i32
      %broadcast_in_dim3A_186 = vector.broadcast %broadcast_in_dim3A_185 : i32 to vector<16xi32>
      %lt3A_187 = vector.broadcast %select_n3A_179 : i32 to vector<16xi32>
      %lt3A_188 = arith.cmpi slt, %lt3A_187, %broadcast_in_dim3A_186 : vector<16xi32>
      %or3A = arith.ori %lt3A, %lt3A_188 : vector<16xi1>
      %scatter3A_189 = arith.constant 0 : i32
      %scatter3A_190 = arith.constant 0 : i32
      %scatter3A_191 = tpu.memref_slice %arg5[%scan3A_16, %scatter3A_189, %scatter3A_190] : memref<2x26x1000xf32, #tpu.memory_space<vmem>> -> memref<1x26x1000xf32, #tpu.memory_space<vmem>>
      %scatter3A_192 = tpu.memref_squeeze %scatter3A_191 : memref<1x26x1000xf32, #tpu.memory_space<vmem>> -> memref<26x1000xf32, #tpu.memory_space<vmem>>
      tpu.vector_store_idx %scatter3A_192[%broadcast_in_dim3A_180, %add3A_184], %broadcast_in_dim3A_8 masked %or3A : memref<26x1000xf32, #tpu.memory_space<vmem>>[vector<16xi32>, vector<16xi32>], vector<16xf32>, vector<16xi1>
    }
    %scan3A_21 = arith.constant 1638 : i32
    %get3A = arith.constant 0 : i32
    %get3A_22 = arith.index_cast %get3A : i32 to index
    %get3A_23 = arith.constant 0 : index
    %get3A_24 = tpu.vector_load %arg4[%get3A_22, %get3A_23] {strides = array<i32>} : memref<128x26xi32, #tpu.memory_space<vmem>>, vector<16xi32>,
    %get3A_25 = arith.constant 0 : i32
    %get3A_26 = arith.index_cast %get3A_25 : i32 to index
    %get3A_27 = arith.constant 10 : index
    %get3A_28 = tpu.vector_load %arg4[%get3A_26, %get3A_27] {strides = array<i32>} : memref<128x26xi32, #tpu.memory_space<vmem>>, vector<16xi32>,
    %scatter3A = arith.constant 0 : i32
    %scatter3A_29 = arith.constant 0 : i32
    %scatter3A_30 = arith.constant 0 : i32
    %scatter3A_31 = tpu.memref_slice %arg5[%scatter3A, %scatter3A_29, %scatter3A_30] : memref<2x26x1000xf32, #tpu.memory_space<vmem>> -> memref<1x26x1000xf32, #tpu.memory_space<vmem>>
    %scatter3A_32 = tpu.memref_squeeze %scatter3A_31 : memref<1x26x1000xf32, #tpu.memory_space<vmem>> -> memref<26x1000xf32, #tpu.memory_space<vmem>>
    tpu.vector_store_idx %scatter3A_32[%iota3A, %get3A_24], %broadcast_in_dim3A_6 : memref<26x1000xf32, #tpu.memory_space<vmem>>[vector<16xi32>, vector<16xi32>], vector<16xf32>,
    %scatter3A_33 = arith.constant 0 : i32
    %scatter3A_34 = arith.constant 0 : i32
    %scatter3A_35 = arith.constant 0 : i32
    %scatter3A_36 = tpu.memref_slice %arg5[%scatter3A_33, %scatter3A_34, %scatter3A_35] : memref<2x26x1000xf32, #tpu.memory_space<vmem>> -> memref<1x26x1000xf32, #tpu.memory_space<vmem>>
    %scatter3A_37 = tpu.memref_squeeze %scatter3A_36 : memref<1x26x1000xf32, #tpu.memory_space<vmem>> -> memref<26x1000xf32, #tpu.memory_space<vmem>>
    tpu.vector_store_idx %scatter3A_37[%add3A_5, %get3A_28], %broadcast_in_dim3A_6 : memref<26x1000xf32, #tpu.memory_space<vmem>>[vector<16xi32>, vector<16xi32>], vector<16xf32>,
    %add3A_38 = arith.constant 0 : i32
    %add3A_39 = arith.addi %mul3A_2, %add3A_38 : i32
    %dma_start3A = arith.constant 0 : i32
    %dma_start3A_40 = arith.constant 0 : i32
    %dma_start3A_41 = arith.constant 0 : i32
    %dma_start3A_42 = arith.constant 0 : i32
    %dma_start3A_43 = tpu.memref_slice %arg5[%dma_start3A, %dma_start3A_41, %dma_start3A_42] : memref<2x26x1000xf32, #tpu.memory_space<vmem>> -> memref<1x26x1000xf32, #tpu.memory_space<vmem>>
    %dma_start3A_44 = tpu.memref_squeeze %dma_start3A_43 : memref<1x26x1000xf32, #tpu.memory_space<vmem>> -> memref<26x1000xf32, #tpu.memory_space<vmem>>
    %dma_start3A_45 = arith.constant 0 : i32
    %dma_start3A_46 = arith.constant 0 : i32
    %dma_start3A_47 = tpu.memref_slice %arg3[%add3A_39, %dma_start3A_45, %dma_start3A_46] : memref<4096x26x1000xf32, #tpu.memory_space<hbm>> -> memref<1x26x1000xf32, #tpu.memory_space<hbm>>
    %dma_start3A_48 = tpu.memref_squeeze %dma_start3A_47 : memref<1x26x1000xf32, #tpu.memory_space<hbm>> -> memref<26x1000xf32, #tpu.memory_space<hbm>>
    %dma_start3A_49 = tpu.memref_slice %arg6[%dma_start3A_40] : memref<2x!tpu.dma_semaphore, #tpu.memory_space<semaphore_mem>> -> memref<1x!tpu.dma_semaphore, #tpu.memory_space<semaphore_mem>>
    %dma_start3A_50 = tpu.memref_squeeze %dma_start3A_49 : memref<1x!tpu.dma_semaphore, #tpu.memory_space<semaphore_mem>> -> memref<!tpu.dma_semaphore, #tpu.memory_space<semaphore_mem>>
    %dma_start3A_51 = arith.constant 0 : i32
    %dma_start3A_52 = arith.constant 0 : i32
    %dma_start3A_53 = tpu.memref_slice %arg3[%add3A_39, %dma_start3A_51, %dma_start3A_52] : memref<4096x26x1000xf32, #tpu.memory_space<hbm>> -> memref<1x26x1000xf32, #tpu.memory_space<hbm>>
    %dma_start3A_54 = tpu.memref_squeeze %dma_start3A_53 : memref<1x26x1000xf32, #tpu.memory_space<hbm>> -> memref<26x1000xf32, #tpu.memory_space<hbm>>
    %dma_start3A_55 = arith.constant 0 : i32
    %dma_start3A_56 = arith.constant 0 : i32
    %dma_start3A_57 = tpu.memref_slice %arg5[%dma_start3A, %dma_start3A_55, %dma_start3A_56] : memref<2x26x1000xf32, #tpu.memory_space<vmem>> -> memref<1x26x1000xf32, #tpu.memory_space<vmem>>
    %dma_start3A_58 = tpu.memref_squeeze %dma_start3A_57 : memref<1x26x1000xf32, #tpu.memory_space<vmem>> -> memref<26x1000xf32, #tpu.memory_space<vmem>>
    tpu.enqueue_dma source(%dma_start3A_58 : memref<26x1000xf32, #tpu.memory_space<vmem>>) target(%dma_start3A_54 : memref<26x1000xf32, #tpu.memory_space<hbm>>) target_semaphore(%dma_start3A_50 : memref<!tpu.dma_semaphore, #tpu.memory_space<semaphore_mem>>)
    %get3A_59 = arith.constant 1 : i32
    %get3A_60 = arith.index_cast %get3A_59 : i32 to index
    %get3A_61 = arith.constant 0 : index
    %get3A_62 = tpu.vector_load %arg4[%get3A_60, %get3A_61] {strides = array<i32>} : memref<128x26xi32, #tpu.memory_space<vmem>>, vector<16xi32>,
    %get3A_63 = arith.constant 1 : i32
    %get3A_64 = arith.index_cast %get3A_63 : i32 to index
    %get3A_65 = arith.constant 10 : index
    %get3A_66 = tpu.vector_load %arg4[%get3A_64, %get3A_65] {strides = array<i32>} : memref<128x26xi32, #tpu.memory_space<vmem>>, vector<16xi32>,
    %scatter3A_67 = arith.constant 1 : i32
    %scatter3A_68 = arith.constant 0 : i32
    %scatter3A_69 = arith.constant 0 : i32
    %scatter3A_70 = tpu.memref_slice %arg5[%scatter3A_67, %scatter3A_68, %scatter3A_69] : memref<2x26x1000xf32, #tpu.memory_space<vmem>> -> memref<1x26x1000xf32, #tpu.memory_space<vmem>>
    %scatter3A_71 = tpu.memref_squeeze %scatter3A_70 : memref<1x26x1000xf32, #tpu.memory_space<vmem>> -> memref<26x1000xf32, #tpu.memory_space<vmem>>
    tpu.vector_store_idx %scatter3A_71[%iota3A, %get3A_62], %broadcast_in_dim3A_6 : memref<26x1000xf32, #tpu.memory_space<vmem>>[vector<16xi32>, vector<16xi32>], vector<16xf32>,
    %scatter3A_72 = arith.constant 1 : i32
    %scatter3A_73 = arith.constant 0 : i32
    %scatter3A_74 = arith.constant 0 : i32
    %scatter3A_75 = tpu.memref_slice %arg5[%scatter3A_72, %scatter3A_73, %scatter3A_74] : memref<2x26x1000xf32, #tpu.memory_space<vmem>> -> memref<1x26x1000xf32, #tpu.memory_space<vmem>>
    %scatter3A_76 = tpu.memref_squeeze %scatter3A_75 : memref<1x26x1000xf32, #tpu.memory_space<vmem>> -> memref<26x1000xf32, #tpu.memory_space<vmem>>
    tpu.vector_store_idx %scatter3A_76[%add3A_5, %get3A_66], %broadcast_in_dim3A_6 : memref<26x1000xf32, #tpu.memory_space<vmem>>[vector<16xi32>, vector<16xi32>], vector<16xf32>,
    %add3A_77 = arith.constant 1 : i32
    %add3A_78 = arith.addi %mul3A_2, %add3A_77 : i32
    %dma_start3A_79 = arith.constant 1 : i32
    %dma_start3A_80 = arith.constant 1 : i32
    %dma_start3A_81 = arith.constant 0 : i32
    %dma_start3A_82 = arith.constant 0 : i32
    %dma_start3A_83 = tpu.memref_slice %arg5[%dma_start3A_79, %dma_start3A_81, %dma_start3A_82] : memref<2x26x1000xf32, #tpu.memory_space<vmem>> -> memref<1x26x1000xf32, #tpu.memory_space<vmem>>
    %dma_start3A_84 = tpu.memref_squeeze %dma_start3A_83 : memref<1x26x1000xf32, #tpu.memory_space<vmem>> -> memref<26x1000xf32, #tpu.memory_space<vmem>>
    %dma_start3A_85 = arith.constant 0 : i32
    %dma_start3A_86 = arith.constant 0 : i32
    %dma_start3A_87 = tpu.memref_slice %arg3[%add3A_78, %dma_start3A_85, %dma_start3A_86] : memref<4096x26x1000xf32, #tpu.memory_space<hbm>> -> memref<1x26x1000xf32, #tpu.memory_space<hbm>>
    %dma_start3A_88 = tpu.memref_squeeze %dma_start3A_87 : memref<1x26x1000xf32, #tpu.memory_space<hbm>> -> memref<26x1000xf32, #tpu.memory_space<hbm>>
    %dma_start3A_89 = tpu.memref_slice %arg6[%dma_start3A_80] : memref<2x!tpu.dma_semaphore, #tpu.memory_space<semaphore_mem>> -> memref<1x!tpu.dma_semaphore, #tpu.memory_space<semaphore_mem>>
    %dma_start3A_90 = tpu.memref_squeeze %dma_start3A_89 : memref<1x!tpu.dma_semaphore, #tpu.memory_space<semaphore_mem>> -> memref<!tpu.dma_semaphore, #tpu.memory_space<semaphore_mem>>
    %dma_start3A_91 = arith.constant 0 : i32
    %dma_start3A_92 = arith.constant 0 : i32
    %dma_start3A_93 = tpu.memref_slice %arg3[%add3A_78, %dma_start3A_91, %dma_start3A_92] : memref<4096x26x1000xf32, #tpu.memory_space<hbm>> -> memref<1x26x1000xf32, #tpu.memory_space<hbm>>
    %dma_start3A_94 = tpu.memref_squeeze %dma_start3A_93 : memref<1x26x1000xf32, #tpu.memory_space<hbm>> -> memref<26x1000xf32, #tpu.memory_space<hbm>>
    %dma_start3A_95 = arith.constant 0 : i32
    %dma_start3A_96 = arith.constant 0 : i32
    %dma_start3A_97 = tpu.memref_slice %arg5[%dma_start3A_79, %dma_start3A_95, %dma_start3A_96] : memref<2x26x1000xf32, #tpu.memory_space<vmem>> -> memref<1x26x1000xf32, #tpu.memory_space<vmem>>
    %dma_start3A_98 = tpu.memref_squeeze %dma_start3A_97 : memref<1x26x1000xf32, #tpu.memory_space<vmem>> -> memref<26x1000xf32, #tpu.memory_space<vmem>>
    tpu.enqueue_dma source(%dma_start3A_98 : memref<26x1000xf32, #tpu.memory_space<vmem>>) target(%dma_start3A_94 : memref<26x1000xf32, #tpu.memory_space<hbm>>) target_semaphore(%dma_start3A_90 : memref<!tpu.dma_semaphore, #tpu.memory_space<semaphore_mem>>)
    %scan3A_99 = arith.constant 0 : i32
    %scan3A_100 = arith.constant 1 : i32
    %scan3A_101 = arith.constant 63 : i32
    %scan3A_102 = arith.addi %scan3A_100, %scan3A_101 : i32
    %scan3A_103 = arith.constant 1 : i32
    scf.for %scan3A_148 = %scan3A_100 to %scan3A_102 step %scan3A_103  : i32 {
      %mul3A_149 = arith.constant 2 : i32
      %mul3A_150 = arith.muli %scan3A_148, %mul3A_149 : i32
      %add3A_151 = arith.constant 0 : i32
      %add3A_152 = arith.addi %mul3A_150, %add3A_151 : i32
      %sub3A = arith.constant 2 : i32
      %sub3A_153 = arith.subi %add3A_152, %sub3A : i32
      %add3A_154 = arith.addi %mul3A_2, %sub3A_153 : i32
      %dma_wait3A_155 = arith.constant 0 : i32
      %dma_wait3A_156 = arith.constant 0 : i32
      %dma_wait3A_157 = arith.constant 0 : i32
      %dma_wait3A_158 = arith.constant 0 : i32
      %dma_wait3A_159 = tpu.memref_slice %arg5[%dma_wait3A_155, %dma_wait3A_157, %dma_wait3A_158] : memref<2x26x1000xf32, #tpu.memory_space<vmem>> -> memref<1x26x1000xf32, #tpu.memory_space<vmem>>
      %dma_wait3A_160 = tpu.memref_squeeze %dma_wait3A_159 : memref<1x26x1000xf32, #tpu.memory_space<vmem>> -> memref<26x1000xf32, #tpu.memory_space<vmem>>
      %dma_wait3A_161 = arith.constant 0 : i32
      %dma_wait3A_162 = arith.constant 0 : i32
      %dma_wait3A_163 = tpu.memref_slice %arg3[%add3A_154, %dma_wait3A_161, %dma_wait3A_162] : memref<4096x26x1000xf32, #tpu.memory_space<hbm>> -> memref<1x26x1000xf32, #tpu.memory_space<hbm>>
      %dma_wait3A_164 = tpu.memref_squeeze %dma_wait3A_163 : memref<1x26x1000xf32, #tpu.memory_space<hbm>> -> memref<26x1000xf32, #tpu.memory_space<hbm>>
      %dma_wait3A_165 = tpu.memref_slice %arg6[%dma_wait3A_156] : memref<2x!tpu.dma_semaphore, #tpu.memory_space<semaphore_mem>> -> memref<1x!tpu.dma_semaphore, #tpu.memory_space<semaphore_mem>>
      %dma_wait3A_166 = tpu.memref_squeeze %dma_wait3A_165 : memref<1x!tpu.dma_semaphore, #tpu.memory_space<semaphore_mem>> -> memref<!tpu.dma_semaphore, #tpu.memory_space<semaphore_mem>>
      %dma_wait3A_167 = arith.constant 0 : i32
      %dma_wait3A_168 = arith.constant 0 : i32
      %dma_wait3A_169 = tpu.memref_slice %arg3[%add3A_154, %dma_wait3A_167, %dma_wait3A_168] : memref<4096x26x1000xf32, #tpu.memory_space<hbm>> -> memref<1x26x1000xf32, #tpu.memory_space<hbm>>
      %dma_wait3A_170 = tpu.memref_squeeze %dma_wait3A_169 : memref<1x26x1000xf32, #tpu.memory_space<hbm>> -> memref<26x1000xf32, #tpu.memory_space<hbm>>
      %dma_wait3A_171 = arith.constant 0 : i32
      %dma_wait3A_172 = arith.constant 0 : i32
      %dma_wait3A_173 = tpu.memref_slice %arg5[%dma_wait3A_155, %dma_wait3A_171, %dma_wait3A_172] : memref<2x26x1000xf32, #tpu.memory_space<vmem>> -> memref<1x26x1000xf32, #tpu.memory_space<vmem>>
      %dma_wait3A_174 = tpu.memref_squeeze %dma_wait3A_173 : memref<1x26x1000xf32, #tpu.memory_space<vmem>> -> memref<26x1000xf32, #tpu.memory_space<vmem>>
      tpu.wait_dma2 semaphore(%dma_wait3A_166 : memref<!tpu.dma_semaphore, #tpu.memory_space<semaphore_mem>>) src(%dma_wait3A_174 : memref<26x1000xf32, #tpu.memory_space<vmem>>) dst(%dma_wait3A_170 : memref<26x1000xf32, #tpu.memory_space<hbm>>)
      %get3A_175 = arith.index_cast %sub3A_153 : i32 to index
      %get3A_176 = arith.constant 0 : index
      %get3A_177 = tpu.vector_load %arg4[%get3A_175, %get3A_176] {strides = array<i32>} : memref<128x26xi32, #tpu.memory_space<vmem>>, vector<16xi32>,
      %get3A_178 = arith.index_cast %sub3A_153 : i32 to index
      %get3A_179 = arith.constant 10 : index
      %get3A_180 = tpu.vector_load %arg4[%get3A_178, %get3A_179] {strides = array<i32>} : memref<128x26xi32, #tpu.memory_space<vmem>>, vector<16xi32>,
      %scatter3A_181 = arith.constant 0 : i32
      %scatter3A_182 = arith.constant 0 : i32
      %scatter3A_183 = arith.constant 0 : i32
      %scatter3A_184 = tpu.memref_slice %arg5[%scatter3A_181, %scatter3A_182, %scatter3A_183] : memref<2x26x1000xf32, #tpu.memory_space<vmem>> -> memref<1x26x1000xf32, #tpu.memory_space<vmem>>
      %scatter3A_185 = tpu.memref_squeeze %scatter3A_184 : memref<1x26x1000xf32, #tpu.memory_space<vmem>> -> memref<26x1000xf32, #tpu.memory_space<vmem>>
      tpu.vector_store_idx %scatter3A_185[%iota3A, %get3A_177], %broadcast_in_dim3A_8 : memref<26x1000xf32, #tpu.memory_space<vmem>>[vector<16xi32>, vector<16xi32>], vector<16xf32>,
      %scatter3A_186 = arith.constant 0 : i32
      %scatter3A_187 = arith.constant 0 : i32
      %scatter3A_188 = arith.constant 0 : i32
      %scatter3A_189 = tpu.memref_slice %arg5[%scatter3A_186, %scatter3A_187, %scatter3A_188] : memref<2x26x1000xf32, #tpu.memory_space<vmem>> -> memref<1x26x1000xf32, #tpu.memory_space<vmem>>
      %scatter3A_190 = tpu.memref_squeeze %scatter3A_189 : memref<1x26x1000xf32, #tpu.memory_space<vmem>> -> memref<26x1000xf32, #tpu.memory_space<vmem>>
      tpu.vector_store_idx %scatter3A_190[%add3A_5, %get3A_180], %broadcast_in_dim3A_8 : memref<26x1000xf32, #tpu.memory_space<vmem>>[vector<16xi32>, vector<16xi32>], vector<16xf32>,
      %get3A_191 = arith.index_cast %add3A_152 : i32 to index
      %get3A_192 = arith.constant 0 : index
      %get3A_193 = tpu.vector_load %arg4[%get3A_191, %get3A_192] {strides = array<i32>} : memref<128x26xi32, #tpu.memory_space<vmem>>, vector<16xi32>,
      %get3A_194 = arith.index_cast %add3A_152 : i32 to index
      %get3A_195 = arith.constant 10 : index
      %get3A_196 = tpu.vector_load %arg4[%get3A_194, %get3A_195] {strides = array<i32>} : memref<128x26xi32, #tpu.memory_space<vmem>>, vector<16xi32>,
      %scatter3A_197 = arith.constant 0 : i32
      %scatter3A_198 = arith.constant 0 : i32
      %scatter3A_199 = arith.constant 0 : i32
      %scatter3A_200 = tpu.memref_slice %arg5[%scatter3A_197, %scatter3A_198, %scatter3A_199] : memref<2x26x1000xf32, #tpu.memory_space<vmem>> -> memref<1x26x1000xf32, #tpu.memory_space<vmem>>
      %scatter3A_201 = tpu.memref_squeeze %scatter3A_200 : memref<1x26x1000xf32, #tpu.memory_space<vmem>> -> memref<26x1000xf32, #tpu.memory_space<vmem>>
      tpu.vector_store_idx %scatter3A_201[%iota3A, %get3A_193], %broadcast_in_dim3A_6 : memref<26x1000xf32, #tpu.memory_space<vmem>>[vector<16xi32>, vector<16xi32>], vector<16xf32>,
      %scatter3A_202 = arith.constant 0 : i32
      %scatter3A_203 = arith.constant 0 : i32
      %scatter3A_204 = arith.constant 0 : i32
      %scatter3A_205 = tpu.memref_slice %arg5[%scatter3A_202, %scatter3A_203, %scatter3A_204] : memref<2x26x1000xf32, #tpu.memory_space<vmem>> -> memref<1x26x1000xf32, #tpu.memory_space<vmem>>
      %scatter3A_206 = tpu.memref_squeeze %scatter3A_205 : memref<1x26x1000xf32, #tpu.memory_space<vmem>> -> memref<26x1000xf32, #tpu.memory_space<vmem>>
      tpu.vector_store_idx %scatter3A_206[%add3A_5, %get3A_196], %broadcast_in_dim3A_6 : memref<26x1000xf32, #tpu.memory_space<vmem>>[vector<16xi32>, vector<16xi32>], vector<16xf32>,
      %add3A_207 = arith.addi %mul3A_2, %add3A_152 : i32
      %dma_start3A_208 = arith.constant 0 : i32
      %dma_start3A_209 = arith.constant 0 : i32
      %dma_start3A_210 = arith.constant 0 : i32
      %dma_start3A_211 = arith.constant 0 : i32
      %dma_start3A_212 = tpu.memref_slice %arg5[%dma_start3A_208, %dma_start3A_210, %dma_start3A_211] : memref<2x26x1000xf32, #tpu.memory_space<vmem>> -> memref<1x26x1000xf32, #tpu.memory_space<vmem>>
      %dma_start3A_213 = tpu.memref_squeeze %dma_start3A_212 : memref<1x26x1000xf32, #tpu.memory_space<vmem>> -> memref<26x1000xf32, #tpu.memory_space<vmem>>
      %dma_start3A_214 = arith.constant 0 : i32
      %dma_start3A_215 = arith.constant 0 : i32
      %dma_start3A_216 = tpu.memref_slice %arg3[%add3A_207, %dma_start3A_214, %dma_start3A_215] : memref<4096x26x1000xf32, #tpu.memory_space<hbm>> -> memref<1x26x1000xf32, #tpu.memory_space<hbm>>
      %dma_start3A_217 = tpu.memref_squeeze %dma_start3A_216 : memref<1x26x1000xf32, #tpu.memory_space<hbm>> -> memref<26x1000xf32, #tpu.memory_space<hbm>>
      %dma_start3A_218 = tpu.memref_slice %arg6[%dma_start3A_209] : memref<2x!tpu.dma_semaphore, #tpu.memory_space<semaphore_mem>> -> memref<1x!tpu.dma_semaphore, #tpu.memory_space<semaphore_mem>>
      %dma_start3A_219 = tpu.memref_squeeze %dma_start3A_218 : memref<1x!tpu.dma_semaphore, #tpu.memory_space<semaphore_mem>> -> memref<!tpu.dma_semaphore, #tpu.memory_space<semaphore_mem>>
      %dma_start3A_220 = arith.constant 0 : i32
      %dma_start3A_221 = arith.constant 0 : i32
      %dma_start3A_222 = tpu.memref_slice %arg3[%add3A_207, %dma_start3A_220, %dma_start3A_221] : memref<4096x26x1000xf32, #tpu.memory_space<hbm>> -> memref<1x26x1000xf32, #tpu.memory_space<hbm>>
      %dma_start3A_223 = tpu.memref_squeeze %dma_start3A_222 : memref<1x26x1000xf32, #tpu.memory_space<hbm>> -> memref<26x1000xf32, #tpu.memory_space<hbm>>
      %dma_start3A_224 = arith.constant 0 : i32
      %dma_start3A_225 = arith.constant 0 : i32
      %dma_start3A_226 = tpu.memref_slice %arg5[%dma_start3A_208, %dma_start3A_224, %dma_start3A_225] : memref<2x26x1000xf32, #tpu.memory_space<vmem>> -> memref<1x26x1000xf32, #tpu.memory_space<vmem>>
      %dma_start3A_227 = tpu.memref_squeeze %dma_start3A_226 : memref<1x26x1000xf32, #tpu.memory_space<vmem>> -> memref<26x1000xf32, #tpu.memory_space<vmem>>
      tpu.enqueue_dma source(%dma_start3A_227 : memref<26x1000xf32, #tpu.memory_space<vmem>>) target(%dma_start3A_223 : memref<26x1000xf32, #tpu.memory_space<hbm>>) target_semaphore(%dma_start3A_219 : memref<!tpu.dma_semaphore, #tpu.memory_space<semaphore_mem>>)
      %mul3A_228 = arith.constant 2 : i32
      %mul3A_229 = arith.muli %scan3A_148, %mul3A_228 : i32
      %add3A_230 = arith.constant 1 : i32
      %add3A_231 = arith.addi %mul3A_229, %add3A_230 : i32
      %sub3A_232 = arith.constant 2 : i32
      %sub3A_233 = arith.subi %add3A_231, %sub3A_232 : i32
      %add3A_234 = arith.addi %mul3A_2, %sub3A_233 : i32
      %dma_wait3A_235 = arith.constant 1 : i32
      %dma_wait3A_236 = arith.constant 1 : i32
      %dma_wait3A_237 = arith.constant 0 : i32
      %dma_wait3A_238 = arith.constant 0 : i32
      %dma_wait3A_239 = tpu.memref_slice %arg5[%dma_wait3A_235, %dma_wait3A_237, %dma_wait3A_238] : memref<2x26x1000xf32, #tpu.memory_space<vmem>> -> memref<1x26x1000xf32, #tpu.memory_space<vmem>>
      %dma_wait3A_240 = tpu.memref_squeeze %dma_wait3A_239 : memref<1x26x1000xf32, #tpu.memory_space<vmem>> -> memref<26x1000xf32, #tpu.memory_space<vmem>>
      %dma_wait3A_241 = arith.constant 0 : i32
      %dma_wait3A_242 = arith.constant 0 : i32
      %dma_wait3A_243 = tpu.memref_slice %arg3[%add3A_234, %dma_wait3A_241, %dma_wait3A_242] : memref<4096x26x1000xf32, #tpu.memory_space<hbm>> -> memref<1x26x1000xf32, #tpu.memory_space<hbm>>
      %dma_wait3A_244 = tpu.memref_squeeze %dma_wait3A_243 : memref<1x26x1000xf32, #tpu.memory_space<hbm>> -> memref<26x1000xf32, #tpu.memory_space<hbm>>
      %dma_wait3A_245 = tpu.memref_slice %arg6[%dma_wait3A_236] : memref<2x!tpu.dma_semaphore, #tpu.memory_space<semaphore_mem>> -> memref<1x!tpu.dma_semaphore, #tpu.memory_space<semaphore_mem>>
      %dma_wait3A_246 = tpu.memref_squeeze %dma_wait3A_245 : memref<1x!tpu.dma_semaphore, #tpu.memory_space<semaphore_mem>> -> memref<!tpu.dma_semaphore, #tpu.memory_space<semaphore_mem>>
      %dma_wait3A_247 = arith.constant 0 : i32
      %dma_wait3A_248 = arith.constant 0 : i32
      %dma_wait3A_249 = tpu.memref_slice %arg3[%add3A_234, %dma_wait3A_247, %dma_wait3A_248] : memref<4096x26x1000xf32, #tpu.memory_space<hbm>> -> memref<1x26x1000xf32, #tpu.memory_space<hbm>>
      %dma_wait3A_250 = tpu.memref_squeeze %dma_wait3A_249 : memref<1x26x1000xf32, #tpu.memory_space<hbm>> -> memref<26x1000xf32, #tpu.memory_space<hbm>>
      %dma_wait3A_251 = arith.constant 0 : i32
      %dma_wait3A_252 = arith.constant 0 : i32
      %dma_wait3A_253 = tpu.memref_slice %arg5[%dma_wait3A_235, %dma_wait3A_251, %dma_wait3A_252] : memref<2x26x1000xf32, #tpu.memory_space<vmem>> -> memref<1x26x1000xf32, #tpu.memory_space<vmem>>
      %dma_wait3A_254 = tpu.memref_squeeze %dma_wait3A_253 : memref<1x26x1000xf32, #tpu.memory_space<vmem>> -> memref<26x1000xf32, #tpu.memory_space<vmem>>
      tpu.wait_dma2 semaphore(%dma_wait3A_246 : memref<!tpu.dma_semaphore, #tpu.memory_space<semaphore_mem>>) src(%dma_wait3A_254 : memref<26x1000xf32, #tpu.memory_space<vmem>>) dst(%dma_wait3A_250 : memref<26x1000xf32, #tpu.memory_space<hbm>>)
      %get3A_255 = arith.index_cast %sub3A_233 : i32 to index
      %get3A_256 = arith.constant 0 : index
      %get3A_257 = tpu.vector_load %arg4[%get3A_255, %get3A_256] {strides = array<i32>} : memref<128x26xi32, #tpu.memory_space<vmem>>, vector<16xi32>,
      %get3A_258 = arith.index_cast %sub3A_233 : i32 to index
      %get3A_259 = arith.constant 10 : index
      %get3A_260 = tpu.vector_load %arg4[%get3A_258, %get3A_259] {strides = array<i32>} : memref<128x26xi32, #tpu.memory_space<vmem>>, vector<16xi32>,
      %scatter3A_261 = arith.constant 1 : i32
      %scatter3A_262 = arith.constant 0 : i32
      %scatter3A_263 = arith.constant 0 : i32
      %scatter3A_264 = tpu.memref_slice %arg5[%scatter3A_261, %scatter3A_262, %scatter3A_263] : memref<2x26x1000xf32, #tpu.memory_space<vmem>> -> memref<1x26x1000xf32, #tpu.memory_space<vmem>>
      %scatter3A_265 = tpu.memref_squeeze %scatter3A_264 : memref<1x26x1000xf32, #tpu.memory_space<vmem>> -> memref<26x1000xf32, #tpu.memory_space<vmem>>
      tpu.vector_store_idx %scatter3A_265[%iota3A, %get3A_257], %broadcast_in_dim3A_8 : memref<26x1000xf32, #tpu.memory_space<vmem>>[vector<16xi32>, vector<16xi32>], vector<16xf32>,
      %scatter3A_266 = arith.constant 1 : i32
      %scatter3A_267 = arith.constant 0 : i32
      %scatter3A_268 = arith.constant 0 : i32
      %scatter3A_269 = tpu.memref_slice %arg5[%scatter3A_266, %scatter3A_267, %scatter3A_268] : memref<2x26x1000xf32, #tpu.memory_space<vmem>> -> memref<1x26x1000xf32, #tpu.memory_space<vmem>>
      %scatter3A_270 = tpu.memref_squeeze %scatter3A_269 : memref<1x26x1000xf32, #tpu.memory_space<vmem>> -> memref<26x1000xf32, #tpu.memory_space<vmem>>
      tpu.vector_store_idx %scatter3A_270[%add3A_5, %get3A_260], %broadcast_in_dim3A_8 : memref<26x1000xf32, #tpu.memory_space<vmem>>[vector<16xi32>, vector<16xi32>], vector<16xf32>,
      %get3A_271 = arith.index_cast %add3A_231 : i32 to index
      %get3A_272 = arith.constant 0 : index
      %get3A_273 = tpu.vector_load %arg4[%get3A_271, %get3A_272] {strides = array<i32>} : memref<128x26xi32, #tpu.memory_space<vmem>>, vector<16xi32>,
      %get3A_274 = arith.index_cast %add3A_231 : i32 to index
      %get3A_275 = arith.constant 10 : index
      %get3A_276 = tpu.vector_load %arg4[%get3A_274, %get3A_275] {strides = array<i32>} : memref<128x26xi32, #tpu.memory_space<vmem>>, vector<16xi32>,
      %scatter3A_277 = arith.constant 1 : i32
      %scatter3A_278 = arith.constant 0 : i32
      %scatter3A_279 = arith.constant 0 : i32
      %scatter3A_280 = tpu.memref_slice %arg5[%scatter3A_277, %scatter3A_278, %scatter3A_279] : memref<2x26x1000xf32, #tpu.memory_space<vmem>> -> memref<1x26x1000xf32, #tpu.memory_space<vmem>>
      %scatter3A_281 = tpu.memref_squeeze %scatter3A_280 : memref<1x26x1000xf32, #tpu.memory_space<vmem>> -> memref<26x1000xf32, #tpu.memory_space<vmem>>
      tpu.vector_store_idx %scatter3A_281[%iota3A, %get3A_273], %broadcast_in_dim3A_6 : memref<26x1000xf32, #tpu.memory_space<vmem>>[vector<16xi32>, vector<16xi32>], vector<16xf32>,
      %scatter3A_282 = arith.constant 1 : i32
      %scatter3A_283 = arith.constant 0 : i32
      %scatter3A_284 = arith.constant 0 : i32
      %scatter3A_285 = tpu.memref_slice %arg5[%scatter3A_282, %scatter3A_283, %scatter3A_284] : memref<2x26x1000xf32, #tpu.memory_space<vmem>> -> memref<1x26x1000xf32, #tpu.memory_space<vmem>>
      %scatter3A_286 = tpu.memref_squeeze %scatter3A_285 : memref<1x26x1000xf32, #tpu.memory_space<vmem>> -> memref<26x1000xf32, #tpu.memory_space<vmem>>
      tpu.vector_store_idx %scatter3A_286[%add3A_5, %get3A_276], %broadcast_in_dim3A_6 : memref<26x1000xf32, #tpu.memory_space<vmem>>[vector<16xi32>, vector<16xi32>], vector<16xf32>,
      %add3A_287 = arith.addi %mul3A_2, %add3A_231 : i32
      %dma_start3A_288 = arith.constant 1 : i32
      %dma_start3A_289 = arith.constant 1 : i32
      %dma_start3A_290 = arith.constant 0 : i32
      %dma_start3A_291 = arith.constant 0 : i32
      %dma_start3A_292 = tpu.memref_slice %arg5[%dma_start3A_288, %dma_start3A_290, %dma_start3A_291] : memref<2x26x1000xf32, #tpu.memory_space<vmem>> -> memref<1x26x1000xf32, #tpu.memory_space<vmem>>
      %dma_start3A_293 = tpu.memref_squeeze %dma_start3A_292 : memref<1x26x1000xf32, #tpu.memory_space<vmem>> -> memref<26x1000xf32, #tpu.memory_space<vmem>>
      %dma_start3A_294 = arith.constant 0 : i32
      %dma_start3A_295 = arith.constant 0 : i32
      %dma_start3A_296 = tpu.memref_slice %arg3[%add3A_287, %dma_start3A_294, %dma_start3A_295] : memref<4096x26x1000xf32, #tpu.memory_space<hbm>> -> memref<1x26x1000xf32, #tpu.memory_space<hbm>>
      %dma_start3A_297 = tpu.memref_squeeze %dma_start3A_296 : memref<1x26x1000xf32, #tpu.memory_space<hbm>> -> memref<26x1000xf32, #tpu.memory_space<hbm>>
      %dma_start3A_298 = tpu.memref_slice %arg6[%dma_start3A_289] : memref<2x!tpu.dma_semaphore, #tpu.memory_space<semaphore_mem>> -> memref<1x!tpu.dma_semaphore, #tpu.memory_space<semaphore_mem>>
      %dma_start3A_299 = tpu.memref_squeeze %dma_start3A_298 : memref<1x!tpu.dma_semaphore, #tpu.memory_space<semaphore_mem>> -> memref<!tpu.dma_semaphore, #tpu.memory_space<semaphore_mem>>
      %dma_start3A_300 = arith.constant 0 : i32
      %dma_start3A_301 = arith.constant 0 : i32
      %dma_start3A_302 = tpu.memref_slice %arg3[%add3A_287, %dma_start3A_300, %dma_start3A_301] : memref<4096x26x1000xf32, #tpu.memory_space<hbm>> -> memref<1x26x1000xf32, #tpu.memory_space<hbm>>
      %dma_start3A_303 = tpu.memref_squeeze %dma_start3A_302 : memref<1x26x1000xf32, #tpu.memory_space<hbm>> -> memref<26x1000xf32, #tpu.memory_space<hbm>>
      %dma_start3A_304 = arith.constant 0 : i32
      %dma_start3A_305 = arith.constant 0 : i32
      %dma_start3A_306 = tpu.memref_slice %arg5[%dma_start3A_288, %dma_start3A_304, %dma_start3A_305] : memref<2x26x1000xf32, #tpu.memory_space<vmem>> -> memref<1x26x1000xf32, #tpu.memory_space<vmem>>
      %dma_start3A_307 = tpu.memref_squeeze %dma_start3A_306 : memref<1x26x1000xf32, #tpu.memory_space<vmem>> -> memref<26x1000xf32, #tpu.memory_space<vmem>>
      tpu.enqueue_dma source(%dma_start3A_307 : memref<26x1000xf32, #tpu.memory_space<vmem>>) target(%dma_start3A_303 : memref<26x1000xf32, #tpu.memory_space<hbm>>) target_semaphore(%dma_start3A_299 : memref<!tpu.dma_semaphore, #tpu.memory_space<semaphore_mem>>)
    }
    %scan3A_104 = arith.constant 63 : i32
    %add3A_105 = arith.constant 126 : i32
    %add3A_106 = arith.addi %mul3A_2, %add3A_105 : i32
    %dma_wait3A = arith.constant 0 : i32
    %dma_wait3A_107 = arith.constant 0 : i32
    %dma_wait3A_108 = arith.constant 0 : i32
    %dma_wait3A_109 = arith.constant 0 : i32
    %dma_wait3A_110 = tpu.memref_slice %arg5[%dma_wait3A, %dma_wait3A_108, %dma_wait3A_109] : memref<2x26x1000xf32, #tpu.memory_space<vmem>> -> memref<1x26x1000xf32, #tpu.memory_space<vmem>>
    %dma_wait3A_111 = tpu.memref_squeeze %dma_wait3A_110 : memref<1x26x1000xf32, #tpu.memory_space<vmem>> -> memref<26x1000xf32, #tpu.memory_space<vmem>>
    %dma_wait3A_112 = arith.constant 0 : i32
    %dma_wait3A_113 = arith.constant 0 : i32
    %dma_wait3A_114 = tpu.memref_slice %arg3[%add3A_106, %dma_wait3A_112, %dma_wait3A_113] : memref<4096x26x1000xf32, #tpu.memory_space<hbm>> -> memref<1x26x1000xf32, #tpu.memory_space<hbm>>
    %dma_wait3A_115 = tpu.memref_squeeze %dma_wait3A_114 : memref<1x26x1000xf32, #tpu.memory_space<hbm>> -> memref<26x1000xf32, #tpu.memory_space<hbm>>
    %dma_wait3A_116 = tpu.memref_slice %arg6[%dma_wait3A_107] : memref<2x!tpu.dma_semaphore, #tpu.memory_space<semaphore_mem>> -> memref<1x!tpu.dma_semaphore, #tpu.memory_space<semaphore_mem>>
    %dma_wait3A_117 = tpu.memref_squeeze %dma_wait3A_116 : memref<1x!tpu.dma_semaphore, #tpu.memory_space<semaphore_mem>> -> memref<!tpu.dma_semaphore, #tpu.memory_space<semaphore_mem>>
    %dma_wait3A_118 = arith.constant 0 : i32
    %dma_wait3A_119 = arith.constant 0 : i32
    %dma_wait3A_120 = tpu.memref_slice %arg3[%add3A_106, %dma_wait3A_118, %dma_wait3A_119] : memref<4096x26x1000xf32, #tpu.memory_space<hbm>> -> memref<1x26x1000xf32, #tpu.memory_space<hbm>>
    %dma_wait3A_121 = tpu.memref_squeeze %dma_wait3A_120 : memref<1x26x1000xf32, #tpu.memory_space<hbm>> -> memref<26x1000xf32, #tpu.memory_space<hbm>>
    %dma_wait3A_122 = arith.constant 0 : i32
    %dma_wait3A_123 = arith.constant 0 : i32
    %dma_wait3A_124 = tpu.memref_slice %arg5[%dma_wait3A, %dma_wait3A_122, %dma_wait3A_123] : memref<2x26x1000xf32, #tpu.memory_space<vmem>> -> memref<1x26x1000xf32, #tpu.memory_space<vmem>>
    %dma_wait3A_125 = tpu.memref_squeeze %dma_wait3A_124 : memref<1x26x1000xf32, #tpu.memory_space<vmem>> -> memref<26x1000xf32, #tpu.memory_space<vmem>>
    tpu.wait_dma2 semaphore(%dma_wait3A_117 : memref<!tpu.dma_semaphore, #tpu.memory_space<semaphore_mem>>) src(%dma_wait3A_125 : memref<26x1000xf32, #tpu.memory_space<vmem>>) dst(%dma_wait3A_121 : memref<26x1000xf32, #tpu.memory_space<hbm>>)
    %add3A_126 = arith.constant 127 : i32
    %add3A_127 = arith.addi %mul3A_2, %add3A_126 : i32
    %dma_wait3A_128 = arith.constant 1 : i32
    %dma_wait3A_129 = arith.constant 1 : i32
    %dma_wait3A_130 = arith.constant 0 : i32
    %dma_wait3A_131 = arith.constant 0 : i32
    %dma_wait3A_132 = tpu.memref_slice %arg5[%dma_wait3A_128, %dma_wait3A_130, %dma_wait3A_131] : memref<2x26x1000xf32, #tpu.memory_space<vmem>> -> memref<1x26x1000xf32, #tpu.memory_space<vmem>>
    %dma_wait3A_133 = tpu.memref_squeeze %dma_wait3A_132 : memref<1x26x1000xf32, #tpu.memory_space<vmem>> -> memref<26x1000xf32, #tpu.memory_space<vmem>>
    %dma_wait3A_134 = arith.constant 0 : i32
    %dma_wait3A_135 = arith.constant 0 : i32
    %dma_wait3A_136 = tpu.memref_slice %arg3[%add3A_127, %dma_wait3A_134, %dma_wait3A_135] : memref<4096x26x1000xf32, #tpu.memory_space<hbm>> -> memref<1x26x1000xf32, #tpu.memory_space<hbm>>
    %dma_wait3A_137 = tpu.memref_squeeze %dma_wait3A_136 : memref<1x26x1000xf32, #tpu.memory_space<hbm>> -> memref<26x1000xf32, #tpu.memory_space<hbm>>
    %dma_wait3A_138 = tpu.memref_slice %arg6[%dma_wait3A_129] : memref<2x!tpu.dma_semaphore, #tpu.memory_space<semaphore_mem>> -> memref<1x!tpu.dma_semaphore, #tpu.memory_space<semaphore_mem>>
    %dma_wait3A_139 = tpu.memref_squeeze %dma_wait3A_138 : memref<1x!tpu.dma_semaphore, #tpu.memory_space<semaphore_mem>> -> memref<!tpu.dma_semaphore, #tpu.memory_space<semaphore_mem>>
    %dma_wait3A_140 = arith.constant 0 : i32
    %dma_wait3A_141 = arith.constant 0 : i32
    %dma_wait3A_142 = tpu.memref_slice %arg3[%add3A_127, %dma_wait3A_140, %dma_wait3A_141] : memref<4096x26x1000xf32, #tpu.memory_space<hbm>> -> memref<1x26x1000xf32, #tpu.memory_space<hbm>>
    %dma_wait3A_143 = tpu.memref_squeeze %dma_wait3A_142 : memref<1x26x1000xf32, #tpu.memory_space<hbm>> -> memref<26x1000xf32, #tpu.memory_space<hbm>>
    %dma_wait3A_144 = arith.constant 0 : i32
    %dma_wait3A_145 = arith.constant 0 : i32
    %dma_wait3A_146 = tpu.memref_slice %arg5[%dma_wait3A_128, %dma_wait3A_144, %dma_wait3A_145] : memref<2x26x1000xf32, #tpu.memory_space<vmem>> -> memref<1x26x1000xf32, #tpu.memory_space<vmem>>
    %dma_wait3A_147 = tpu.memref_squeeze %dma_wait3A_146 : memref<1x26x1000xf32, #tpu.memory_space<vmem>> -> memref<26x1000xf32, #tpu.memory_space<vmem>>
    tpu.wait_dma2 semaphore(%dma_wait3A_139 : memref<!tpu.dma_semaphore, #tpu.memory_space<semaphore_mem>>) src(%dma_wait3A_147 : memref<26x1000xf32, #tpu.memory_space<vmem>>) dst(%dma_wait3A_143 : memref<26x1000xf32, #tpu.memory_space<hbm>>)
    return
  }
}

</mosaic_0001>

<sc_bundles>
// kernel: kernel.3.cloned.1.call-start
scs
__scs_entry_jumppad:
0x0: {  	(pc) =	sbr.rel $0x88, $3  }
0x1: {  	(tag) =	ssettag $0x0;
	lr =	simm.s32 $0x1  }
0x2: {  	[smem:$0x3FA0] =	sst lr;
	_ =	strace $0xD0000000  }
0x3: {  	_ = 	snop  }
0x4: {  	_ = 	snop  }
0x5: {  	_ = 	snop  }
0x6: {  	_ = 	snop  }
0x7: {  	_ = 	snop  }
__scs_overlays_trampoline_lowered:
0x8: {  	[smem:$0x3FAF] =	sst s0  }
0x9: {  	[smem:$0x3FB0] =	sst s1  }
0xa: {  	[smem:$0x3FB1] =	sst s2  }
0xb: {  	[smem:$0x3FB2] =	sst s3  }
0xc: {  	[smem:$0x3FB3] =	sst s4  }
0xd: {  	[smem:$0x3FB4] =	sst s5  }
0xe: {  	[smem:$0x3FB5] =	sst s6  }
0xf: {  	[smem:$0x3FB6] =	sst s7  }
0x10: {  	[smem:$0x3FB7] =	sst s8  }
0x11: {  	[smem:$0x3FB8] =	sst s9;
	s0 =	simm.s32 @!p0 $0x0  }
0x12: {  	s1 =	sld [smem:$0x3F9E];
	s0 =	simm.s32 @p0 $0x1  }
0x13: {  	[smem:$0x3FB9] =	sst s0;
	s0 =	simm.s32 @!p1 $0x0  }
0x14: {  	s2 =	sld [smem:$0x3F9D];
	s0 =	simm.s32 @p1 $0x1  }
0x15: {  	[smem:$0x3FBA] =	sst s0;
	s0 =	simm.s32 @!p2 $0x0  }
0x16: {  	s3 =	sld [smem:$0x3FDB];
	s0 =	simm.s32 @p2 $0x1  }
0x17: {  	s4 =	simm.s32 $0x1BF5;
	[smem:$0x3FBC] =	sst s0  }
0x18: {  	s0 =	sld [smem:$0x3F9F];
	_ =	swait.ge [sflag:s4], $0x0  }
0x19: {  	s7 =	sld [smem:$0x3FA0]  }
0x1a: {  	s8 =	sadd.s32 $0xFFFFE003, lr  }
0x1b: {  	s9 =	sadd.s32 $0xFFFFFEF7, lr;
	s5 =	simm.s32 $0xFFFFFFFF;
	p2 =	slt.u32 s8, $0xFFFFF086  }
0x1c: {  	p1 =	slt.u32 s9, $0xF7A;
	s5 =	simm.s32 @!p2 $0x0  }
0x1d: {  	s5 =	simm.s32 @p1 $0x1;
	p0 =	seq.s32 s7, s2  }
0x1e: {  	s7 =	smul.u32 @!p0 $0xF7A, s2;
	p2 =	seq.s32 @!p0 s5, $0x0  }
0x1f: {  	s9 =	smul.u32 $0xF7A, s1;
	s8 =	simm.s32 @!p0 $0x1BF5;
	p2 =	por !p2, p0  }
0x20: {  	[sflag:s8] =	ssyncset.s32 @!p0 $0xFFFFF086;
	s6 =	sadd.s32 @!p0 s3, s7;
	s7 =	simm.s32 @!p0 $0x108  }
0x21: {  	s3 =	sadd.s32 s3, s9;
	s6 =	sadd.s32 @!p0 $0x88, s6;
	s7 =	simm.s32 @p2 $0x1082  }
0x22: {  	[simem:s7], [sflag:s8] =	dma.local @!p0 [hbm:s6], $0xF7A  }
0x23: {  	s9 =	sor.u32 $0xD0000000, s2;
	s6 =	simm.s32 $0x108;
	_ =	swait.ge @!p0 [sflag:s8], $0x0  }
0x24: {  	s3 =	sadd.s32 $0x88, s3;
	s6 =	simm.s32 @!p1 $0x1082;
	[sflag:s4] =	ssyncset.s32 $0xFFFFF086  }
0x25: {  	[simem:s6], [sflag:s4] =	dma.local [hbm:s3], $0xF7A  }
0x26: {  	[smem:$0x3FA0] =	sst s1;
	(tag) =	ssettag s2;
	_ =	strace s9  }
0x27: {  	s1 =	sld [smem:$0x3FB0]  }
0x28: {  	s2 =	sld [smem:$0x3FB1]  }
0x29: {  	s4 =	sld [smem:$0x3FB3]  }
0x2a: {  	p0 =	seq.s32 s5, $0x0;
	s5 =	sld [smem:$0x3FB4]  }
0x2b: {  	s6 =	sld [smem:$0x3FB5]  }
0x2c: {  	s7 =	sld [smem:$0x3FB6]  }
0x2d: {  	s3 =	simm.s32 $0x108;
	s8 =	sld [smem:$0x3FB7]  }
0x2e: {  	s3 =	simm.s32 @!p0 $0x1082;
	s9 =	sld [smem:$0x3FB8]  }
0x2f: {  	lr =	sadd.s32 s0, s3;
	s0 =	sld [smem:$0x3FAF]  }
0x30: {  	s3 =	sld [smem:$0x3FB2]  }
0x31: {  	[smem:$0x3FBB] =	sst s10  }
0x32: {  	s10 =	sld [smem:$0x3FB9];
	_ =	sdelay $0x3  }
0x33: {  	p0 =	seq.s32 s10, $0x1;
	s10 =	sld [smem:$0x3FBB];
	_ =	sdelay $0x3  }
0x34: {  	[smem:$0x3FBB] =	sst s10  }
0x35: {  	s10 =	sld [smem:$0x3FBA];
	_ =	sdelay $0x3  }
0x36: {  	p1 =	seq.s32 s10, $0x1;
	s10 =	sld [smem:$0x3FBB];
	_ =	sdelay $0x3  }
0x37: {  	[smem:$0x3FBB] =	sst s10  }
0x38: {  	s10 =	sld [smem:$0x3FBC]  }
0x39: {  	_ = 	snop;
	(pc) =	sbr.ind lr, $3  }
0x3a: {  	_ = 	snop  }
0x3b: {  	_ = 	snop  }
0x3c: {  	p2 =	seq.s32 s10, $0x1;
	s10 =	sld [smem:$0x3FBB]  }
0x3d: {  	_ =	shalt  }
0x3e: {  	_ =	shalt  }
0x3f: {  	_ =	shalt  }
0x40: {  	_ =	shalt  }
0x41: {  	_ =	shalt  }
0x42: {  	_ =	shalt  }
0x43: {  	_ =	shalt  }
0x44: {  	_ =	shalt  }
0x45: {  	_ =	shalt  }
0x46: {  	_ =	shalt  }
0x47: {  	_ =	shalt  }
0x48: {  	_ =	shalt  }
0x49: {  	_ =	shalt  }
0x4a: {  	_ =	shalt  }
0x4b: {  	_ =	shalt  }
0x4c: {  	_ =	shalt  }
0x4d: {  	_ =	shalt  }
0x4e: {  	_ =	shalt  }
0x4f: {  	_ =	shalt  }
0x50: {  	_ =	shalt  }
0x51: {  	_ =	shalt  }
0x52: {  	_ =	shalt  }
0x53: {  	_ =	shalt  }
0x54: {  	_ =	shalt  }
0x55: {  	_ =	shalt  }
0x56: {  	_ =	shalt  }
0x57: {  	_ =	shalt  }
0x58: {  	_ =	shalt  }
0x59: {  	_ =	shalt  }
0x5a: {  	_ =	shalt  }
0x5b: {  	_ =	shalt  }
0x5c: {  	_ =	shalt  }
0x5d: {  	_ =	shalt  }
0x5e: {  	_ =	shalt  }
0x5f: {  	_ =	shalt  }
0x60: {  	_ =	shalt  }
0x61: {  	_ =	shalt  }
0x62: {  	_ =	shalt  }
0x63: {  	_ =	shalt  }
0x64: {  	_ =	shalt  }
0x65: {  	_ =	shalt  }
0x66: {  	_ =	shalt  }
0x67: {  	_ =	shalt  }
0x68: {  	_ =	shalt  }
0x69: {  	_ =	shalt  }
0x6a: {  	_ =	shalt  }
0x6b: {  	_ =	shalt  }
0x6c: {  	_ =	shalt  }
0x6d: {  	_ =	shalt  }
0x6e: {  	_ =	shalt  }
0x6f: {  	_ =	shalt  }
0x70: {  	_ =	shalt  }
0x71: {  	_ =	shalt  }
0x72: {  	_ =	shalt  }
0x73: {  	_ =	shalt  }
0x74: {  	_ =	shalt  }
0x75: {  	_ =	shalt  }
0x76: {  	_ =	shalt  }
0x77: {  	_ =	shalt  }
0x78: {  	_ =	shalt  }
0x79: {  	_ =	shalt  }
0x7a: {  	_ =	shalt  }
0x7b: {  	_ =	shalt  }
0x7c: {  	_ =	shalt  }
0x7d: {  	_ =	shalt  }
0x7e: {  	_ =	shalt  }
0x7f: {  	_ =	shalt  }
0x80: {  	_ =	shalt  }
0x81: {  	_ =	shalt  }
0x82: {  	_ =	shalt  }
0x83: {  	_ =	shalt  }
0x84: {  	_ =	shalt  }
0x85: {  	_ =	shalt  }
0x86: {  	_ =	shalt  }
0x87: {  	_ =	shalt  }
.Lfunc_end0:
.L_simem_size_0:
called_computation_lowered:
.L_overlay_start_0:
0x88: {  	s2 =	sld [smem:$0x3FD9]  }
0x89: {  	s3 =	sld [smem:$0x3FFE];
	_ =	sdelay $0x1  }
0x8a: {  	s1 =	srdreg.scid  }
0x8b: {  	s0 =	sand.u32 $0x1, s1  }
0x8c: {  	s17 =	sshll.u32 s0, $0xA;
	s2 =	sadd.s32 s3, s2  }
0x8d: {  	s2 =	sadd.s32 s2, s17  }
0x8e: {  	[smem:$0x3FC7] =	sst s2  }
0x8f: {  	_ = 	snop  }
0x90: {  	s2 =	sld [smem:$0x3FD0];
	(tm) =	ssettm $0x1  }
0x91: {  	s18 =	sld [smem:$0x3FFB];
	_ =	sdelay $0x3  }
0x92: {  	_ =	strace s18  }
0x93: {  	s3 =	sld [smem:$0x3FFC];
	_ =	sdelay $0x3  }
0x94: {  	_ =	strace s3  }
0x95: {  	s3 =	sld [smem:$0x3FFD];
	_ =	sdelay $0x3  }
0x96: {  	_ =	strace s3  }
0x97: {  	_ =	strace $0x8FFFFFFF  }
0x98: {  	s19 =	sld [smem:$0x3FDB];
	_ =	sdelay $0x1  }
0x99: {  	s4 =	simm.s32 $_scs_section_size  }
0x9a: {  	s5 =	simm.s32 $_size__tile_overlayer_lowered;
	s6 =	simm.s32 $_tile_overlayer_lowered  }
0x9b: {  	s22 =	simm.s32 $0x1BFF;
	s21 =	sshll.u32 s6, $0x1;
	s3 =	sadd.s32 s4, s19  }
0x9c: {  	s7 =	simm.s32 $0x0;
	s20 =	sshll.u32 s5, $0x1;
	s5 =	sadd.s32 s21, s3  }
0x9d: {  	[timem:s7], [sflag:s22] =	dma.local [hbm:s5], s20  }
0x9e: {  	_ =	swait.ge [sflag:s22], s20  }
0x9f: {  	s4 =	ssub.s32 $0x0, s20;
	[sflag:s22] =	ssyncset.done $0x0  }
0xa0: {  	[sflag:s22] =	ssyncadd.s32 s4;
	_ =	sdelay $0x1  }
0xa1: {  	s23 =	simm.s32 $0x1B8B  }
0xa2: {  	_ =	swait.ge [sflag:s23], $0x1  }
0xa3: {  	[sflag:s23] =	ssyncset.done $0x0  }
0xa4: {  	s25 =	simm.s32 $0x1B8E;
	s24 =	sld [smem:$0x3FFE];
	[sflag:s23] =	ssyncadd.s32 $0xFFFFFFFF  }
0xa5: {  	s26 =	simm.s32 $execute0_lowered;
	[smem:$0x3FD2] =	sst s25  }
0xa6: {  	s5 =	sshll.u32 s26, $0x1;
	_ =	strace $0x80000046;
	[dreg:$0x1] =	wrdreg $0xFFFFFFFF  }
0xa7: {  	s28 =	simm.s32 $_size_execute0_lowered;
	s3 =	sadd.s32 s3, s5;
	[dreg:$0x0] =	wrdreg $0x0  }
0xa8: {  	s5 =	sshll.u32 s28, $0x1;
	[dreg:$0x2] =	wrdreg s3  }
0xa9: {  	[dreg:$0x3] =	wrdreg s5  }
0xaa: {  	[dreg:$0x4] =	wrdreg $0xC0  }
0xab: {  	_ =	task [dreg:s7], $0x5FFFF  }
0xac: {  	[dreg:$0x1] =	wrdreg $0xFFFFFFFF  }
0xad: {  	[dreg:$0x0] =	wrdreg $0x60  }
0xae: {  	[dreg:$0x2] =	wrdreg s2  }
0xaf: {  	[dreg:$0x3] =	wrdreg s24  }
0xb0: {  	[dreg:$0x4] =	wrdreg $0x9  }
0xb1: {  	_ =	task.clear_ibuf [dreg:s7], $0x5FFFF;
	_ =	strace $0x90000046  }
0xb2: {  	s29 =	simm.s32 $0x9;
	_ =	strace $0x80000048  }
0xb3: {  	_ =	swait.ge [sflag:s29], $0x1  }
0xb4: {  	[sflag:s29] =	ssyncadd.s32 $0xFFFFFFFF  }
0xb5: {  	_ =	strace $0x90000048  }
0xb6: {  	_ =	sfence  }
0xb7: {  	s30 =	sld [smem:$0x0];
	_ =	sdelay $0x2  }
0xb8: {  	s31 =	sshll.u32 s1, $0xD;
	s1 =	sshrl.u32 s1, $0x2  }
0xb9: {  	s3 =	sand.u32 $0x4000, s31;
	s1 =	sadd.s32 s1, s30  }
0xba: {  	s0 =	sor.u32 s3, s0;
	s1 =	sshll.u32 s1, $0x11  }
0xbb: {  	s0 =	sor.u32 s1, s0  }
0xbc: {  	s0 =	sadd.s32 $0x8F2B, s0  }
0xbd: {  	[sflag:s0] =	ssyncadd.remote.s32 $0x1  }
0xbe: {  	_ =	sfence.sel $0xFFFF  }
0xbf: {  	[dreg:$0x0] =	wrdreg $0xFFFFFFFF;
	(pc) =	sbr.abs _section_cstart, $3  }
0xc0: {  	[dreg:$0x1] =	wrdreg $0xFFFFFFFF  }
0xc1: {  	_ =	task.clear_ibuf [dreg:s7], $0x2FFFF;
	_ =	strace $0x9FFFFFFF  }
0xc2: {  	(tm) =	ssettm $0x7FFFFFFF  }
0xc3: {  	_ =	shalt  }
tec
execute0_lowered:
.L_overlay_start_1:
0x0: {  	(tag) =	ssettag $0x1  }
0x1: {  	v0 =	vlaneseq.u32  }
0x2: {  	vm0 =	vcmask $0x300;
	v1 =	vimm.s32 $0x2380;
	v2 =	vimm.s32 $0x6080  }
0x3: {  	vm1 =	vcmask $0x704;
	vm2 =	vcmask $0x3B38;
	v3 =	vimm.f32 $0.0e+00  }
0x4: {  	v4 =	vimm.f32 $1.000000000e+00;
	v1 =	vsel vm0, $0x0, v1;
	v2 =	vsel vm0, $0x2100, v2  }
0x5: {  	vm0 =	vcmask $0xB08;
	v1 =	vsel vm1, $0x80, v1;
	v2 =	vsel vm1, $0x2180, v2  }
0x6: {  	vm1 =	vcmask $0xF0C;
	v1 =	vsel vm0, $0x100, v1;
	v2 =	vsel vm0, $0x2200, v2  }
0x7: {  	s3 =	rddreg [dreg:$0x0];
	vm0 =	vcmask $0x1310;
	v1 =	vsel vm1, $0x180, v1;
	v2 =	vsel vm1, $0x2280, v2  }
0x8: {  	s4 =	rddreg [dreg:$0x1];
	vm1 =	vcmask $0x1714;
	v1 =	vsel vm0, $0x200, v1;
	v2 =	vsel vm0, $0x2300, v2  }
0x9: {  	s0 =	rddreg [dreg:$0x2];
	s1 =	simm.s32 $0x0;
	s5 =	srdreg.scid;
	vm0 =	vcmask $0x1B18;
	v1 =	vsel vm1, $0x280, v1;
	v2 =	vsel vm1, $0x2380, v2  }
0xa: {  	s2 =	stileid.u32;
	s10 =	simm.s32 $0xC000;
	s11 =	simm.s32 $0x1;
	vm1 =	vcmask $0x1F1C;
	v1 =	vsel vm0, $0x300, v1;
	v2 =	vsel vm0, $0x4000, v2  }
0xb: {  	s12 =	simm.s32 $0x2;
	s13 =	simm.s32 $0x0;
	[smem:$0x7FF] =	sst s1;
	vm0 =	vcmask $0x2320;
	v1 =	vsel vm1, $0x380, v1;
	v2 =	vsel vm1, $0x4080, v2  }
0xc: {  	s5 =	sand.u32 $0x1, s5;
	s7 =	sshll.u32 s2, $0x8;
	s26 =	sadd.s32 $0x400, s4;
	vm1 =	vcmask $0x2724;
	v1 =	vsel vm0, $0x2000, v1;
	v2 =	vsel vm0, $0x4100, v2  }
0xd: {  	s30 =	sshll.u32 s2, $0x14;
	s6 =	ssub.s32 $0x2, s5;
	s8 =	sshll.u32 s5, $0x7;
	vm0 =	vcmask $0x2B28;
	v1 =	vsel vm1, $0x2080, v1;
	v2 =	vsel vm1, $0x4180, v2  }
0xe: {  	_ =	strace $0x80000047;
	s31 =	sshll.u32 s5, $0x13;
	s9 =	sshrl.u32 s6, $0x1;
	vm1 =	vcmask $0x2F2C;
	v1 =	vsel vm0, $0x2100, v1;
	v2 =	vsel vm0, $0x4200, v2  }
0xf: {  	s7 =	sor.u32 s8, s7;
	s8 =	simm.s32 $0x3;
	s6 =	ssub.s32 s6, s9;
	vm0 =	vcmask $0x3330;
	v1 =	vsel vm1, $0x2180, v1;
	v2 =	vsel vm1, $0x4280, v2  }
0x10: {  	s28 =	sshll.u32 s7, $0x4;
	s29 =	sshll.u32 s7, $0xC;
	s7 =	sadd.s32 s30, s26;
	vm1 =	vcmask $0x3734;
	v1 =	vsel vm0, $0x2200, v1;
	v2 =	vsel vm0, $0x4300, v2  }
0x11: {  	s9 =	simm.s32 $0x4000;
	s3 =	sadd.s32 s3, s28;
	s4 =	sadd.s32 s26, s29;
	vm0 =	vmxor vm0, vm0;
	v1 =	vsel vm1, $0x2280, v1;
	v2 =	vsel vm1, $0x4380, v2  }
0x12: {  	s6 =	smax.u32 s6, $0x1;
	s7 =	sadd.s32 s31, s7;
	s5 =	sadd.s32 $0x1000, s4;
	vm1 =	vmmov $0xff;
	v1 =	vsel vm2, $0x2300, v1;
	v2 =	vsel vm2, $0x6000, v2  }
.LBB2_1:
0x13: {  	s14 =	smul.u32 $0x411, s1  }
0x14: {  	[tilespmem:s1], [sflag:$0x3] =	stream.linear.gather [hbm4b:s3+s1], $0x4000, $0x38;
	[tilespmem:$0x14000] =	vst v63  }
0x15: {  	s14 =	sshrl.u32 s14, $0x10  }
0x16: {  	s16 =	simm.s32 $0x1;
	s15 =	ssub.s32 $0x0, s14  }
0x17: {  	s16 =	smul.u32 $0x411, s16;
	s15 =	sand.u32 $0xFFFE, s15  }
0x18: {  	s15 =	sshrl.u32 s15, $0x1  }
0x19: {  	s16 =	sshrl.u32 s16, $0x10;
	s14 =	sadd.s32 s14, s15  }
0x1a: {  	s23 =	ssub.s32 $0x1, s16;
	s14 =	sand.u32 $0xFFE0, s14  }
0x1b: {  	s15 =	sand.u32 $0xFFFE, s23;
	s14 =	sshrl.u32 s14, $0x5  }
0x1c: {  	s18 =	sshrl.u32 s15, $0x1;
	s17 =	smul.u32 $0x3F, s14  }
0x1d: {  	s15 =	simm.s32 $0x2;
	s16 =	sadd.s32 s16, s18  }
0x1e: {  	s24 =	smul.u32 $0x411, s15;
	s25 =	sand.u32 $0xFFE0, s16;
	s17 =	ssub.s32 $0x0, s17  }
0x1f: {  	v5 =	vmov s14;
	s19 =	sshrl.u32 s25, $0x5;
	s17 =	sand.u32 $0xFFFF, s17  }
0x20: {  	vm2 =	vmmov vm0;
	v6 =	vshll.u32 v5, $0xA;
	v5 =	vshll.u32 v5, $0x7;
	s18 =	sshrl.u32 s24, $0x10;
	s20 =	smul.u32 $0x3F, s19;
	s26 =	sshll.u32 s17, $0x4  }
0x21: {  	s14 =	simm.s32 $0x3;
	v6 =	vand.u32 $0xE000, v6;
	v5 =	vand.u32 $0x380, v5;
	s21 =	ssub.s32 $0x2, s18;
	v7 =	vmov s26  }
0x22: {  	vm3 =	vmmov vm0;
	v5 =	vor.u32 v6, v5;
	s28 =	sand.u32 $0xFFFE, s21;
	p0 =	slt.s32 s17, $0x3E;
	s20 =	ssub.s32 $0x1, s20;
	v7 =	vshll.u32 v7, $0x3  }
0x23: {  	s29 =	smul.u32 $0x411, s14;
	s17 =	sshrl.u32 s28, $0x1;
	v6 =	vor.u32 s26, v0;
	vm2 =	vmneg @p0 vm2;
	s20 =	sand.u32 $0xFFFF, s20;
	v7 =	vand.u32 $0x1C00, v7  }
0x24: {  	s17 =	sadd.s32 s18, s17;
	v6 =	vand.u32 $0x7F, v6;
	s30 =	sshll.u32 s20, $0x4;
	vm2 =	vmor vm2, vm1;
	v5 =	vor.u32 v7, v5  }
0x25: {  	s16 =	sshrl.u32 s29, $0x10;
	s17 =	sand.u32 $0xFFE0, s17;
	p0 =	slt.s32 s20, $0x3E;
	v8 =	vmov s30;
	v7 =	vmov s19;
	v5 =	vor.u32 v6, v5  }
0x26: {  	_ =	swait.ge [sflag:s8], $0x4000;
	s31 =	ssub.s32 $0x3, s16;
	s17 =	sshrl.u32 s17, $0x5;
	vm3 =	vmneg @p0 vm3;
	v6 =	vshll.u32 v7, $0xA;
	v7 =	vshll.u32 v7, $0x7  }
0x27: {  	[sflag:s8] =	ssyncset.done $0x0;
	s22 =	sand.u32 $0xFFFE, s31;
	v9 =	vshll.u32 v8, $0x3;
	s19 =	smul.u32 $0x3F, s17;
	v6 =	vand.u32 $0xE000, v6;
	v7 =	vand.u32 $0x380, v7  }
0x28: {  	[sflag:s8] =	ssyncadd.s32 $0xFFFFC000;
	s18 =	simm.s32 $0x4;
	s20 =	sshrl.u32 s22, $0x1;
	v8 =	vor.u32 s30, v0;
	v6 =	vor.u32 v6, v7;
	v7 =	vand.u32 $0x1C00, v9  }
.LBB2_2:
0x29: {  	s21 =	smul.u32 $0x411, s18;
	s20 =	sadd.s32 s16, s20;
	s16 =	ssub.s32 s15, s19  }
0x2a: {  	v8 =	vand.u32 $0x7F, v8;
	v6 =	vor.u32 v7, v6;
	[tilespmem:v5+s9+$0x0] =	vst.idx.msk vm2, v3;
	vm2 =	vmor vm3, vm1;
	s15 =	smov.u32 s14;
	s14 =	smov.u32 s18;
	p0 =	sne.s32 s18, $0x665  }
.Ltmp0:
0x2b: {  	s18 =	sadd.s32 $0x1, s18;
	v7 =	vmov s17;
	s22 =	sand.u32 $0xFFFF, s16;
	v5 =	vor.u32 v8, v6;
	(pc) =	sbr.rel @p0 .LBB2_2-.Ltmp0, $4  }
0x2c: {  	s17 =	sand.u32 $0xFFE0, s20;
	v6 =	vshll.u32 v7, $0xA;
	v7 =	vshll.u32 v7, $0x7;
	s16 =	sshrl.u32 s21, $0x10;
	s21 =	sshll.u32 s22, $0x4  }
0x2d: {  	s17 =	sshrl.u32 s17, $0x5;
	v6 =	vand.u32 $0xE000, v6;
	v7 =	vand.u32 $0x380, v7;
	s19 =	ssub.s32 s14, s16;
	v8 =	vmov s21  }
0x2e: {  	vm3 =	vmmov vm0;
	p1 =	slt.s32 s22, $0x3E;
	v6 =	vor.u32 v6, v7;
	s20 =	sand.u32 $0xFFFE, s19;
	s19 =	smul.u32 $0x3F, s17;
	v9 =	vshll.u32 v8, $0x3  }
0x2f: {  	vm3 =	vmneg @p1 vm3;
	v8 =	vor.u32 s21, v0;
	s20 =	sshrl.u32 s20, $0x1;
	v7 =	vand.u32 $0x1C00, v9  }
0x30: {  	s18 =	simm.s32 $0x0  }
0x31: {  	vm3 =	vmor vm3, vm1;
	s18 =	smul.u32 $0x411, s18  }
0x32: {  	s16 =	sadd.s32 s16, s20;
	s15 =	ssub.s32 s15, s19;
	v8 =	vand.u32 $0x7F, v8;
	v9 =	vmov s17;
	v6 =	vor.u32 v7, v6  }
0x33: {  	vm4 =	vmmov vm0;
	vm5 =	vmmov vm0;
	vm6 =	vmmov vm0;
	s15 =	sand.u32 $0xFFFF, s15;
	s16 =	sand.u32 $0xFFE0, s16;
	s31 =	sshrl.u32 s18, $0x10  }
0x34: {  	v7 =	vshll.u32 v9, $0xA;
	v9 =	vshll.u32 v9, $0x7;
	v6 =	vor.u32 v8, v6;
	s22 =	sshll.u32 s15, $0x4;
	s16 =	sshrl.u32 s16, $0x5;
	s23 =	ssub.s32 $0x0, s31  }
0x35: {  	s21 =	simm.s32 $0x1;
	v7 =	vand.u32 $0xE000, v7;
	v9 =	vand.u32 $0x380, v9;
	v10 =	vmov s22;
	s24 =	smul.u32 $0x3F, s16;
	s19 =	sand.u32 $0xFFFE, s23  }
0x36: {  	s26 =	smul.u32 $0x411, s21;
	p0 =	slt.s32 s15, $0x3E;
	v7 =	vor.u32 v7, v9;
	v9 =	vor.u32 s22, v0;
	v8 =	vshll.u32 v10, $0x3;
	s25 =	sshrl.u32 s19, $0x1  }
0x37: {  	vm4 =	vmneg @p0 vm4;
	v10 =	vmov s16;
	v8 =	vand.u32 $0x1C00, v8;
	s14 =	ssub.s32 s14, s24;
	s15 =	sadd.s32 s31, s25  }
0x38: {  	s28 =	sshrl.u32 s26, $0x10;
	vm4 =	vmor vm4, vm1;
	s14 =	sand.u32 $0xFFFF, s14;
	v7 =	vor.u32 v8, v7;
	v8 =	vshll.u32 v10, $0xA;
	s15 =	sand.u32 $0xFFE0, s15  }
0x39: {  	v9 =	vand.u32 $0x7F, v9;
	s30 =	ssub.s32 $0x1, s28;
	v10 =	vshll.u32 v10, $0x7;
	s29 =	sshll.u32 s14, $0x4;
	v8 =	vand.u32 $0xE000, v8;
	s31 =	sshrl.u32 s15, $0x5  }
0x3a: {  	s18 =	sand.u32 $0xFFFE, s30;
	v10 =	vand.u32 $0x380, v10;
	v7 =	vor.u32 v9, v7;
	v11 =	vmov s29;
	s20 =	smul.u32 $0x3F, s31  }
0x3b: {  	s21 =	sshrl.u32 s18, $0x1;
	p0 =	slt.s32 s14, $0x3E;
	v8 =	vor.u32 v8, v10;
	v10 =	vor.u32 s29, v0;
	v9 =	vshll.u32 v11, $0x3;
	s15 =	simm.s32 $0x2  }
0x3c: {  	s14 =	sadd.s32 s28, s21;
	vm5 =	vmneg @p0 vm5;
	v10 =	vand.u32 $0x7F, v10;
	v9 =	vand.u32 $0x1C00, v9;
	s23 =	smul.u32 $0x411, s15;
	s22 =	ssub.s32 $0x0, s20  }
0x3d: {  	s14 =	sand.u32 $0xFFE0, s14;
	vm5 =	vmor vm5, vm1;
	v8 =	vor.u32 v9, v8;
	v9 =	vmov s31;
	s16 =	sand.u32 $0xFFFF, s22  }
0x3e: {  	s25 =	sshrl.u32 s14, $0x5;
	v8 =	vor.u32 v10, v8;
	v10 =	vshll.u32 v9, $0xA;
	v9 =	vshll.u32 v9, $0x7;
	s17 =	sshrl.u32 s23, $0x10;
	s24 =	sshll.u32 s16, $0x4  }
0x3f: {  	s26 =	smul.u32 $0x3F, s25;
	v10 =	vand.u32 $0xE000, v10;
	v9 =	vand.u32 $0x380, v9;
	s28 =	ssub.s32 $0x2, s17;
	v11 =	vmov s24  }
0x40: {  	s14 =	simm.s32 $0x3;
	p0 =	slt.s32 s16, $0x3E;
	v9 =	vor.u32 v10, v9;
	s29 =	sand.u32 $0xFFFE, s28;
	v10 =	vor.u32 s24, v0;
	v11 =	vshll.u32 v11, $0x3  }
0x41: {  	s30 =	smul.u32 $0x411, s14;
	s20 =	ssub.s32 $0x1, s26;
	vm6 =	vmneg @p0 vm6;
	s16 =	sshrl.u32 s29, $0x1;
	v10 =	vand.u32 $0x7F, v10;
	v11 =	vand.u32 $0x1C00, v11  }
0x42: {  	[tilespmem:v5+s9+$0x0] =	vst.idx.msk vm2, v3;
	s20 =	sand.u32 $0xFFFF, s20;
	s17 =	sadd.s32 s17, s16;
	vm2 =	vmor vm6, vm1;
	v9 =	vor.u32 v11, v9;
	v11 =	vmov s25  }
0x43: {  	s31 =	sshll.u32 s20, $0x4;
	s16 =	sshrl.u32 s30, $0x10;
	s17 =	sand.u32 $0xFFE0, s17;
	v5 =	vor.u32 v10, v9;
	v9 =	vshll.u32 v11, $0xA;
	v10 =	vshll.u32 v11, $0x7  }
0x44: {  	[tilespmem:v6+s9+$0x0] =	vst.idx.msk vm3, v3;
	s18 =	ssub.s32 $0x3, s16;
	s17 =	sshrl.u32 s17, $0x5;
	v11 =	vmov s31;
	v6 =	vand.u32 $0xE000, v9;
	v9 =	vand.u32 $0x380, v10  }
0x45: {  	vm3 =	vmmov vm0;
	[tilespmem:v7+s9+$0x0] =	vst.idx.msk vm4, v3;
	p0 =	slt.s32 s20, $0x3E;
	s22 =	sand.u32 $0xFFFE, s18;
	s19 =	smul.u32 $0x3F, s17;
	v6 =	vor.u32 v6, v9;
	v9 =	vshll.u32 v11, $0x3  }
0x46: {  	v7 =	vor.u32 s31, v0;
	vm3 =	vmneg @p0 vm3;
	[tilespmem:v8+s9+$0x0] =	vst.idx.msk vm5, v3;
	s18 =	simm.s32 $0x4;
	s20 =	sshrl.u32 s22, $0x1;
	v8 =	vand.u32 $0x1C00, v9  }
.LBB2_4:
0x47: {  	s21 =	smul.u32 $0x411, s18;
	s20 =	sadd.s32 s16, s20;
	s16 =	ssub.s32 s15, s19  }
0x48: {  	v7 =	vand.u32 $0x7F, v7;
	v6 =	vor.u32 v8, v6;
	[tilespmem:v5+s10+$0x0] =	vst.idx.msk vm2, v3;
	vm2 =	vmor vm3, vm1;
	s15 =	smov.u32 s14;
	s14 =	smov.u32 s18;
	p0 =	sne.s32 s18, $0x665  }
.Ltmp1:
0x49: {  	s18 =	sadd.s32 $0x1, s18;
	v8 =	vmov s17;
	s22 =	sand.u32 $0xFFFF, s16;
	v5 =	vor.u32 v7, v6;
	(pc) =	sbr.rel @p0 .LBB2_4-.Ltmp1, $4  }
0x4a: {  	s17 =	sand.u32 $0xFFE0, s20;
	v6 =	vshll.u32 v8, $0xA;
	v7 =	vshll.u32 v8, $0x7;
	s16 =	sshrl.u32 s21, $0x10;
	s21 =	sshll.u32 s22, $0x4  }
0x4b: {  	s17 =	sshrl.u32 s17, $0x5;
	v6 =	vand.u32 $0xE000, v6;
	v7 =	vand.u32 $0x380, v7;
	s19 =	ssub.s32 s14, s16;
	v8 =	vmov s21  }
0x4c: {  	vm3 =	vmmov vm0;
	p1 =	slt.s32 s22, $0x3E;
	v6 =	vor.u32 v6, v7;
	s20 =	sand.u32 $0xFFFE, s19;
	s19 =	smul.u32 $0x3F, s17;
	v8 =	vshll.u32 v8, $0x3  }
0x4d: {  	v7 =	vor.u32 s21, v0;
	vm3 =	vmneg @p1 vm3;
	s20 =	sshrl.u32 s20, $0x1;
	v8 =	vand.u32 $0x1C00, v8  }
0x4e: {  	s16 =	sadd.s32 s16, s20;
	s15 =	ssub.s32 s15, s19;
	vm3 =	vmor vm3, vm1;
	v7 =	vand.u32 $0x7F, v7  }
0x4f: {  	v9 =	vmov s17;
	v6 =	vor.u32 v8, v6;
	vm4 =	vmmov vm0;
	s15 =	sand.u32 $0xFFFF, s15;
	s16 =	sand.u32 $0xFFE0, s16  }
0x50: {  	vm5 =	vmmov vm0;
	v56 =	vshll.u32 v9, $0xA;
	v9 =	vshll.u32 v9, $0x7;
	s30 =	sshll.u32 s15, $0x4;
	s16 =	sshrl.u32 s16, $0x5  }
0x51: {  	v8 =	vand.u32 $0xE000, v56;
	v9 =	vand.u32 $0x380, v9;
	v10 =	vmov s30;
	s18 =	smul.u32 $0x3F, s16  }
0x52: {  	v6 =	vor.u32 v7, v6;
	p0 =	slt.s32 s15, $0x3E;
	v8 =	vor.u32 v8, v9;
	v7 =	vshll.u32 v10, $0x3  }
0x53: {  	v57 =	vor.u32 s30, v0;
	vm4 =	vmneg @p0 vm4;
	v7 =	vand.u32 $0x1C00, v7;
	s14 =	ssub.s32 s14, s18  }
0x54: {  	v58 =	vmov s16;
	v9 =	vand.u32 $0x7F, v57;
	v7 =	vor.u32 v7, v8;
	s14 =	sand.u32 $0xFFFF, s14  }
0x55: {  	v59 =	vshll.u32 v58, $0xA;
	v8 =	vshll.u32 v58, $0x7;
	v7 =	vor.u32 v9, v7;
	s31 =	sshll.u32 s14, $0x4  }
0x56: {  	v9 =	vand.u32 $0xE000, v59;
	v8 =	vand.u32 $0x380, v8;
	v60 =	vmov s31  }
0x57: {  	vm4 =	vmor vm4, vm1;
	p0 =	slt.s32 s14, $0x3E;
	v8 =	vor.u32 v9, v8;
	v10 =	vshll.u32 v60, $0x3  }
0x58: {  	v61 =	vor.u32 s31, v0;
	vm5 =	vmneg @p0 vm5;
	v10 =	vand.u32 $0x1C00, v10  }
0x59: {  	vm5 =	vmor vm5, vm1;
	v9 =	vand.u32 $0x7F, v61;
	v8 =	vor.u32 v10, v8  }
0x5a: {  	v8 =	vor.u32 v9, v8;
	_ =	sdelay $0x1  }
0x5b: {  	[tilespmem:v5+s10+$0x0] =	vst.idx.msk vm2, v3  }
0x5c: {  	[tilespmem:v6+s10+$0x0] =	vst.idx.msk vm3, v3  }
0x5d: {  	[tilespmem:v7+s10+$0x0] =	vst.idx.msk vm4, v3  }
0x5e: {  	[tilespmem:v8+s10+$0x0] =	vst.idx.msk vm5, v3  }
0x5f: {  	v5 =	vld [tilespmem:$0x0]  }
0x60: {  	v6 =	vld [tilespmem:$0xA];
	_ =	sdelay $0x3  }
0x61: {  	v7 =	vshll.u32 v5, $0x3  }
0x62: {  	v5 =	vand.u32 $0x7F, v5;
	v62 =	vshll.u32 v6, $0x3;
	v7 =	vand.u32 $0xFFFFFC00, v7  }
0x63: {  	v6 =	vand.u32 $0x7F, v6;
	v5 =	vor.u32 v5, v7;
	v7 =	vand.u32 $0xFFFFFC00, v62  }
0x64: {  	v5 =	vadd.s32 v1, v5;
	v6 =	vor.u32 v6, v7  }
0x65: {  	v6 =	vadd.s32 v2, v6;
	_ =	sdelay $0x3  }
0x66: {  	[tilespmem:v5+s9+$0x0] =	vst.idx.msk $0xffff, v4  }
0x67: {  	[tilespmem:v6+s9+$0x0] =	vst.idx.msk $0xffff, v4  }
0x68: {  	[hbm4b:s4+s1] =	stream.linear.scatter [tilespmem:s9], [sflag:$0x1], $0x8000, $0x38;
	[tilespmem:$0x14000] =	vst v63  }
0x69: {  	v5 =	vld [tilespmem:$0x80]  }
0x6a: {  	v6 =	vld [tilespmem:$0x8A];
	_ =	sdelay $0x3  }
0x6b: {  	v7 =	vshll.u32 v5, $0x3  }
0x6c: {  	v5 =	vand.u32 $0x7F, v5;
	v63 =	vshll.u32 v6, $0x3;
	v7 =	vand.u32 $0xFFFFFC00, v7  }
0x6d: {  	v6 =	vand.u32 $0x7F, v6;
	v5 =	vor.u32 v5, v7;
	v7 =	vand.u32 $0xFFFFFC00, v63  }
0x6e: {  	v5 =	vadd.s32 v1, v5;
	v6 =	vor.u32 v6, v7  }
0x6f: {  	v6 =	vadd.s32 v2, v6;
	_ =	sdelay $0x3  }
0x70: {  	[tilespmem:v5+s10+$0x0] =	vst.idx.msk $0xffff, v4  }
0x71: {  	s15 =	simm.s32 $0x100;
	s14 =	simm.s32 $0xFFF82000;
	[tilespmem:v6+s10+$0x0] =	vst.idx.msk $0xffff, v4  }
0x72: {  	[hbm4b:s5+s1] =	stream.linear.scatter [tilespmem:s10], [sflag:$0x2], $0x8000, $0x38;
	[tilespmem:$0x14000] =	vst v63  }
.LBB2_6:
0x73: {  	_ =	swait.ge [sflag:s11], $0x8000  }
0x74: {  	[sflag:s11] =	ssyncset.done $0x0  }
0x75: {  	[sflag:s11] =	ssyncadd.s32 $0xFFFF8000  }
0x76: {  	v5 =	vld [tilespmem:s15+$0xFFFFFF00]  }
0x77: {  	v6 =	vld [tilespmem:s15+$0xFFFFFF0A];
	_ =	sdelay $0x3  }
0x78: {  	v7 =	vshll.u32 v5, $0x3  }
0x79: {  	v5 =	vand.u32 $0x7F, v5;
	v8 =	vshll.u32 v6, $0x3;
	v7 =	vand.u32 $0xFFFFFC00, v7  }
0x7a: {  	v6 =	vand.u32 $0x7F, v6;
	v5 =	vor.u32 v5, v7;
	v7 =	vand.u32 $0xFFFFFC00, v8  }
0x7b: {  	v5 =	vadd.s32 v1, v5;
	v6 =	vor.u32 v6, v7  }
0x7c: {  	v6 =	vadd.s32 v2, v6;
	_ =	sdelay $0x3  }
0x7d: {  	[tilespmem:v5+s9+$0x0] =	vst.idx.msk $0xffff, v3  }
0x7e: {  	[tilespmem:v6+s9+$0x0] =	vst.idx.msk $0xffff, v3  }
0x7f: {  	v5 =	vld [tilespmem:s15+$0x0]  }
0x80: {  	v6 =	vld [tilespmem:s15+$0xA];
	_ =	sdelay $0x3  }
0x81: {  	v7 =	vshll.u32 v5, $0x3  }
0x82: {  	v5 =	vand.u32 $0x7F, v5;
	v61 =	vshll.u32 v6, $0x3;
	v7 =	vand.u32 $0xFFFFFC00, v7  }
0x83: {  	v6 =	vand.u32 $0x7F, v6;
	v5 =	vor.u32 v5, v7;
	v7 =	vand.u32 $0xFFFFFC00, v61  }
0x84: {  	v5 =	vadd.s32 v1, v5;
	v6 =	vor.u32 v6, v7  }
0x85: {  	v6 =	vadd.s32 v2, v6;
	_ =	sdelay $0x3  }
0x86: {  	s16 =	sadd.s32 s14, s7;
	[tilespmem:v5+s9+$0x0] =	vst.idx.msk $0xffff, v4  }
0x87: {  	s17 =	sadd.s32 $0x80000, s16;
	[tilespmem:v6+s9+$0x0] =	vst.idx.msk $0xffff, v4  }
0x88: {  	[hbm4b:s17+s1] =	stream.linear.scatter [tilespmem:s9], [sflag:$0x1], $0x8000, $0x38;
	[tilespmem:$0x14000] =	vst v63  }
0x89: {  	_ =	swait.ge [sflag:s12], $0x8000  }
0x8a: {  	[sflag:s12] =	ssyncset.done $0x0  }
0x8b: {  	[sflag:s12] =	ssyncadd.s32 $0xFFFF8000  }
0x8c: {  	v5 =	vld [tilespmem:s15+$0xFFFFFF80]  }
0x8d: {  	v6 =	vld [tilespmem:s15+$0xFFFFFF8A];
	_ =	sdelay $0x3  }
0x8e: {  	v7 =	vshll.u32 v5, $0x3  }
0x8f: {  	v5 =	vand.u32 $0x7F, v5;
	v62 =	vshll.u32 v6, $0x3;
	v7 =	vand.u32 $0xFFFFFC00, v7  }
0x90: {  	v6 =	vand.u32 $0x7F, v6;
	v5 =	vor.u32 v5, v7;
	v7 =	vand.u32 $0xFFFFFC00, v62  }
0x91: {  	v5 =	vadd.s32 v1, v5;
	v6 =	vor.u32 v6, v7  }
0x92: {  	v6 =	vadd.s32 v2, v6;
	_ =	sdelay $0x3  }
0x93: {  	[tilespmem:v5+s10+$0x0] =	vst.idx.msk $0xffff, v3  }
0x94: {  	[tilespmem:v6+s10+$0x0] =	vst.idx.msk $0xffff, v3  }
0x95: {  	v5 =	vld [tilespmem:s15+$0x80]  }
0x96: {  	v6 =	vld [tilespmem:s15+$0x8A];
	_ =	sdelay $0x3  }
0x97: {  	v7 =	vshll.u32 v5, $0x3  }
0x98: {  	v5 =	vand.u32 $0x7F, v5;
	v63 =	vshll.u32 v6, $0x3;
	v7 =	vand.u32 $0xFFFFFC00, v7  }
0x99: {  	v6 =	vand.u32 $0x7F, v6;
	v5 =	vor.u32 v5, v7;
	v7 =	vand.u32 $0xFFFFFC00, v63  }
0x9a: {  	v5 =	vadd.s32 v1, v5;
	v6 =	vor.u32 v6, v7  }
0x9b: {  	v6 =	vadd.s32 v2, v6  }
0x9c: {  	p0 =	sne.s32 s14, $0xFFFFE000  }
.Ltmp2:
0x9d: {  	_ = 	snop;
	(pc) =	sbr.rel @p0 .LBB2_6-.Ltmp2, $4  }
0x9e: {  	_ = 	snop  }
0x9f: {  	[tilespmem:v5+s10+$0x0] =	vst.idx.msk $0xffff, v4  }
0xa0: {  	s14 =	sadd.s32 $0x2000, s14;
	s16 =	sadd.s32 $0x81000, s16;
	s15 =	sadd.s32 $0x100, s15;
	[tilespmem:v6+s10+$0x0] =	vst.idx.msk $0xffff, v4  }
0xa1: {  	[hbm4b:s16+s1] =	stream.linear.scatter [tilespmem:s10], [sflag:$0x2], $0x8000, $0x38;
	[tilespmem:$0x14000] =	vst v63  }
0xa2: {  	s13 =	sadd.s32 $0x1, s13  }
0xa3: {  	_ =	swait.ge [sflag:s11], $0x8000;
	p0 =	sne.s32 s13, s6  }
.Ltmp3:
0xa4: {  	[sflag:s11] =	ssyncset.done $0x0;
	(pc) =	sbr.rel @p0 .LBB2_1-.Ltmp3, $4  }
0xa5: {  	[sflag:s11] =	ssyncadd.s32 $0xFFFF8000  }
0xa6: {  	_ =	swait.ge [sflag:s12], $0x8000  }
0xa7: {  	[sflag:s12] =	ssyncset.done $0x0  }
0xa8: {  	[sflag:s12] =	ssyncadd.s32 $0xFFFF8000  }
0xa9: {  	_ =	sfence.sel $0x180000  }
0xaa: {  	[bflag:$0x0] =	sbarrier.arrive $0xFFFF  }
0xab: {  	p0 =	sne.s32 s2, $0x0;
	_ =	strace $0x90000047  }
0xac: {  	s0 =	sadd.s32 @!p0 $0x100000, s0;
	[bflag:$0x2] =	sbarrier.arrive $0xFFFF  }
0xad: {  	[sflag:s0] =	ssyncadd.tile.s32 @!p0 $0x1;
	_ =	shalt  }
.Lfunc_end2:
_tile_overlayer_lowered:
.L_overlay_start_2:
0xae: {  	(tag) =	ssettag $0x2  }
0xaf: {  	s0 =	rddreg [dreg:$0x0];
	s2 =	stileid.u32  }
0xb0: {  	s1 =	rddreg [dreg:$0x1];
	p0 =	sne.s32 s2, $0x0  }
0xb1: {  	s3 =	rddreg [dreg:$0x2];
	[bflag:$0x3] =	sbarrier.arrive $0xFFFF;
	s2 =	simm.s32 @!p0 $0x1C03  }
0xb2: {  	[timem:s3], [sflag:s2] =	dma.local @!p0 [hbm:s0], s1  }
0xb3: {  	s0 =	simm.s32 @!p0 $0x3  }
0xb4: {  	_ =	swait.ge @!p0 [sflag:s0], s1  }
0xb5: {  	s1 =	ssub.s32 @!p0 $0x0, s1;
	[sflag:s0] =	ssyncset.done @!p0 $0x0  }
0xb6: {  	[sflag:s0] =	ssyncadd.s32 @!p0 s1  }
0xb7: {  	[bflag:$0x3] =	sbarrier.arrive $0xFFFF  }
0xb8: {  	_ =	shalt  }

</sc_bundles>
